<compile_context>
chip_gen: v7x
topology: tpu7x:2x2x1
jax: 0.10.2.dev20260603
libtpu: 0.0.44.dev20260713+nightly
codegen_flags: <defaults>
</compile_context>

<pallas_src>
import functools

import jax
import jax.numpy as jnp
from jax import lax
from jax.experimental import pallas as pl
from jax.experimental.pallas import tpu as pltpu
from jax.experimental.pallas import tpu_sc as plsc

B = 16384
L = 20
D = 32
VOCAB = 1000000
G = 128 // D
LP = L // G

_NC = 2
_NS = 16
_NW = _NC * _NS

_NEIGH_PW = (B * L) // _NW
_NODE_PW = B // _NW
_CHUNK = 1024
_NCH_N = _NEIGH_PW // _CHUNK

QZ = 262144
_TCOL = 2048
_TSTEPS = QZ // _TCOL



def _transpose_body(i0, i1, i2, i3, u0, u1, u2, u3, iw_ref, uw_ref):
    eye = (jax.lax.broadcasted_iota(jnp.int32, (128, 128), 0) ==
           jax.lax.broadcasted_iota(jnp.int32, (128, 128), 1)
           ).astype(jnp.float32)
    dn = (((0,), (0,)), ((), ()))
    xi = jnp.concatenate([i0[...], i1[...], i2[...], i3[...]], axis=0)
    xu = jnp.concatenate([u0[...], u1[...], u2[...], u3[...]], axis=0)
    iw_ref[...] = jax.lax.dot_general(xi, eye, dn,
                                      preferred_element_type=jnp.float32)
    uw_ref[...] = jax.lax.dot_general(xu, eye, dn,
                                      preferred_element_type=jnp.float32)


_MAXBLK = VOCAB // _TCOL - 1


def _tc_transpose(iwT, uwT):
    def in_spec(g):
        return pl.BlockSpec(
            (D, _TCOL),
            lambda i, g=g: (0, jnp.minimum(g * _TSTEPS + i, _MAXBLK)))

    return pl.pallas_call(
        _transpose_body,
        grid=(_TSTEPS,),
        in_specs=[in_spec(g) for g in range(G)] * 2,
        out_specs=[
            pl.BlockSpec((_TCOL, 128), lambda i: (i, 0)),
            pl.BlockSpec((_TCOL, 128), lambda i: (i, 0)),
        ],
        out_shape=[
            jax.ShapeDtypeStruct((QZ, 128), jnp.float32),
            jax.ShapeDtypeStruct((QZ, 128), jnp.float32),
        ],
        compiler_params=pltpu.CompilerParams(
            dimension_semantics=("arbitrary",)),
    )(iwT, iwT, iwT, iwT, uwT, uwT, uwT, uwT)


_TAIL0 = 999424
_NTAIL = VOCAB - _TAIL0
_TAILB = _TAIL0 // 64
_PATCH_BLK = (_TAIL0 - 3 * QZ) // _TCOL
_PATCH_OFF = (_TAIL0 - 3 * QZ) % _TCOL


def _patch_tail(pk, tail):
    return jax.lax.dynamic_update_slice(pk, tail,
                                        (_TAIL0 - 3 * QZ, 3 * D))


def _sc_gather(i_weight, u_weight, ui_flat, nodes):
    mesh = plsc.VectorSubcoreMesh(core_axis_name="c", subcore_axis_name="s")

    @functools.partial(
        pl.kernel,
        mesh=mesh,
        out_type=[
            jax.ShapeDtypeStruct((B * L, D), jnp.float32),
            jax.ShapeDtypeStruct((B, D), jnp.float32),
        ],
        scratch_types=[
            pltpu.VMEM((_CHUNK,), jnp.int32),
            pltpu.VMEM((_CHUNK,), jnp.int32),
            pltpu.VMEM((_CHUNK, D), jnp.float32),
            pltpu.VMEM((_CHUNK, D), jnp.float32),
            pltpu.SemaphoreType.DMA,
            pltpu.SemaphoreType.DMA,
        ],
        compiler_params=pltpu.CompilerParams(use_tc_tiling_on_sc=False),
    )
    def k(iw_hbm, uw_hbm, ui_hbm, nodes_hbm, neigh_out, node_out,
          idx0, idx1, rows0, rows1, sem0, sem1):
        wid = lax.axis_index("s") * _NC + lax.axis_index("c")
        idx_v = (idx0, idx1)
        rows_v = (rows0, rows1)
        sems = (sem0, sem1)

        base = wid * _NEIGH_PW
        pltpu.sync_copy(ui_hbm.at[pl.ds(base, _CHUNK)], idx0)
        pltpu.async_copy(iw_hbm.at[idx0], rows0, sem0)
        for c in range(_NCH_N):
            nxt = (c + 1) % 2
            if c + 1 < _NCH_N:
                pltpu.sync_copy(
                    ui_hbm.at[pl.ds(base + (c + 1) * _CHUNK, _CHUNK)],
                    idx_v[nxt])
                pltpu.async_copy(iw_hbm.at[idx_v[nxt]], rows_v[nxt],
                                 sems[nxt])
            cur = c % 2
            pltpu.make_async_copy(iw_hbm.at[idx_v[cur]], rows_v[cur],
                                  sems[cur]).wait()
            pltpu.sync_copy(rows_v[cur],
                            neigh_out.at[pl.ds(base + c * _CHUNK, _CHUNK)])

        nbase = wid * _NODE_PW
        pltpu.sync_copy(nodes_hbm.at[pl.ds(nbase, _NODE_PW)],
                        idx0.at[pl.ds(0, _NODE_PW)])
        pltpu.async_copy(uw_hbm.at[idx0.at[pl.ds(0, _NODE_PW)]],
                         rows0.at[pl.ds(0, _NODE_PW)], sem0).wait()
        pltpu.sync_copy(rows0.at[pl.ds(0, _NODE_PW)],
                        node_out.at[pl.ds(nbase, _NODE_PW)])

    return k(i_weight, u_weight, ui_flat, nodes)


_BT = 512


def _dense_body(neigh_ref, node_ref, w1ct_ref, b1t_ref, w1blk_ref,
                w2blk_ref, b2t_ref, w3s_ref, rexp_ref, fold_ref, out_ref):
    P = neigh_ref[...]
    node = node_ref[...]
    c1t = jnp.dot(node, w1ct_ref[...],
                  preferred_element_type=jnp.float32) + b1t_ref[...]
    h1 = jnp.dot(P, w1blk_ref[...], preferred_element_type=jnp.float32)
    h1 = h1.reshape(_BT, LP, 128) + c1t[:, None, :]
    h1 = jnp.maximum(h1, 0.0).reshape(_BT * LP, 128)
    h2 = jnp.maximum(
        jnp.dot(h1, w2blk_ref[...], preferred_element_type=jnp.float32)
        + b2t_ref[...], 0.0)
    l4 = jnp.dot(h2, w3s_ref[...],
                 preferred_element_type=jnp.float32)
    e4 = jnp.exp(l4)
    ones44 = jnp.ones((G, G), jnp.float32)
    srow = jnp.dot(e4, ones44,
                   preferred_element_type=jnp.float32)
    znode = jnp.sum(srow.reshape(_BT, LP, G), axis=1)
    zrep = jnp.broadcast_to(znode[:, None, :], (_BT, LP, G))
    att = (e4.reshape(_BT, LP, G) / zrep).reshape(_BT * LP, G)
    att_rep = jnp.dot(att, rexp_ref[...],
                      preferred_element_type=jnp.float32)
    grp = jnp.dot(P * att_rep, fold_ref[...],
                  preferred_element_type=jnp.float32)
    out_ref[...] = jnp.sum(grp.reshape(_BT, LP, D), axis=1)


def _tc_dense(neigh128, node_emb, w1ct, b1t, w1blk, w2blk, b2t, w3s, rexp,
              fold):
    grid = (B // _BT,)
    return pl.pallas_call(
        _dense_body,
        grid=grid,
        in_specs=[
            pl.BlockSpec((_BT * LP, 128), lambda i: (i, 0)),
            pl.BlockSpec((_BT, D), lambda i: (i, 0)),
            pl.BlockSpec((D, 128), lambda i: (0, 0)),
            pl.BlockSpec((1, 128), lambda i: (0, 0)),
            pl.BlockSpec((128, 128), lambda i: (0, 0)),
            pl.BlockSpec((128, 128), lambda i: (0, 0)),
            pl.BlockSpec((1, 128), lambda i: (0, 0)),
            pl.BlockSpec((128, G), lambda i: (0, 0)),
            pl.BlockSpec((G, 128), lambda i: (0, 0)),
            pl.BlockSpec((128, D), lambda i: (0, 0)),
        ],
        out_specs=pl.BlockSpec((_BT, D), lambda i: (i, 0)),
        out_shape=jax.ShapeDtypeStruct((B, D), jnp.float32),
        compiler_params=pltpu.CompilerParams(
            dimension_semantics=("arbitrary",)),
    )(neigh128, node_emb, w1ct, b1t, w1blk, w2blk, b2t, w3s, rexp, fold)


def kernel(nodes, ui_network, ratings, u_weight, i_weight, W1, b1, W2, b2, W3, b3):
    ui_flat = ui_network.reshape(B * L).astype(jnp.int32)
    nd_flat = nodes.astype(jnp.int32)
    uij = ((ui_flat & (QZ - 1)) << 2) | (ui_flat >> 18)
    ndj = ((nd_flat & (QZ - 1)) << 2) | (nd_flat >> 18)
    iw_pk, uw_pk = _tc_transpose(i_weight.T, u_weight.T)
    iw_pk = _patch_tail(iw_pk, jax.lax.slice(i_weight, (_TAIL0, 0),
                                             (VOCAB, D)))
    uw_pk = _patch_tail(uw_pk, jax.lax.slice(u_weight, (_TAIL0, 0),
                                             (VOCAB, D)))
    neighs, node_emb = _sc_gather(iw_pk.reshape(G * QZ, D),
                                  uw_pk.reshape(G * QZ, D), uij, ndj)
    eye4 = jnp.eye(G, dtype=jnp.float32)
    w1blk = jnp.kron(eye4, W1[:, :D].T)
    w2blk = jnp.kron(eye4, W2.T)
    w3s = jnp.kron(eye4, W3.reshape(D, 1))
    rexp = jnp.kron(eye4, jnp.ones((1, D), jnp.float32))
    fold = jnp.kron(jnp.ones((G, 1), jnp.float32),
                    jnp.eye(D, dtype=jnp.float32))
    w1ct = jnp.concatenate([W1[:, D:].T] * G, axis=1)
    b1t = jnp.concatenate([b1.reshape(1, D)] * G, axis=1)
    b2t = jnp.concatenate([b2.reshape(1, D)] * G, axis=1)
    return _tc_dense(neighs.reshape((B * L) // G, 128), node_emb,
                     w1ct, b1t, w1blk, w2blk, b2t, w3s, rexp, fold)

# --- scband reference (transcript-rebuilt; emitter-appended) ---
"""Pipeline reference for scband-aggregator-27633819583079 (READ-ONLY COPY).

The authoritative reference and input builder live on the scoring server;
editing this copy changes nothing except your own understanding.
"""

import jax, jax.numpy as jnp
import numpy as np

B = 16384
L = 20
VOCAB = 1000000
D = 32

def setup_inputs(seed: int = 0):
    key = jax.random.key(seed)
    ks = jax.random.split(key, 8)
    nodes = jax.random.randint(ks[0], (B,), 0, VOCAB)
    ui_network = jax.random.randint(ks[1], (B, L), 0, VOCAB)
    ratings = jax.random.randint(ks[2], (B,), 0, 5)
    u_weight = jax.random.normal(ks[3], (VOCAB, D), dtype=jnp.float32) * 0.05
    i_weight = jax.random.normal(ks[4], (VOCAB, D), dtype=jnp.float32) * 0.05
    W1 = jax.random.normal(ks[5], (D, 2 * D), dtype=jnp.float32) * (1.0 / np.sqrt(2 * D))
    b1 = jnp.zeros((D,), dtype=jnp.float32)
    W2 = jax.random.normal(ks[6], (D, D), dtype=jnp.float32) * (1.0 / np.sqrt(D))
    b2 = jnp.zeros((D,), dtype=jnp.float32)
    W3 = jax.random.normal(ks[7], (1, D), dtype=jnp.float32) * (1.0 / np.sqrt(D))
    b3 = jnp.zeros((1,), dtype=jnp.float32)
    return {"nodes": nodes, "ui_network": ui_network, "ratings": ratings,
            "u_weight": u_weight, "i_weight": i_weight,
            "W1": W1, "b1": b1, "W2": W2, "b2": b2, "W3": W3, "b3": b3}

def reference(nodes, ui_network, ratings, u_weight, i_weight, W1, b1, W2, b2, W3, b3):
    # is_user=True branch: neighbors come from item table, center node from user table
    neighs = jnp.take(i_weight, ui_network, axis=0)              # [B, L, D] gather
    node = jnp.take(u_weight, nodes, axis=0)                     # [B, D] gather
    node_rep = jnp.broadcast_to(node[:, None, :], neighs.shape)  # repeat(num_neighs, 1)
    x = jnp.concatenate([neighs, node_rep], axis=-1)             # [B, L, 2D]
    h = jax.nn.relu(x @ W1.T + b1)                               # att layer 1 (dropout=identity, eval)
    h = jax.nn.relu(h @ W2.T + b2)                               # att layer 2
    logits = h @ W3.T + b3                                       # [B, L, 1]
    att = jax.nn.softmax(logits, axis=1)                         # softmax over neighbors (dim=0 per node)
    embed_matrix = jnp.sum(neighs * att, axis=1)                 # (neighs.T @ att).T per node -> [B, D]
    return embed_matrix

if __name__ == "__main__":
    import jax
    _d = setup_inputs()
    print(jax.jit(kernel)(*tuple(_d.values())))

</pallas_src>

<mosaic_0001>
#map = affine_map<(d0, d1) -> (0, 0)>
#map1 = affine_map<(d0, d1) -> (0)>
module attributes {stable_mosaic.version = 14 : i64} {
  func.func @k(%arg0: i32, %arg1: i32, %arg2: memref<1048576x32xf32, #tpu.memory_space<hbm>>, %arg3: memref<1048576x32xf32, #tpu.memory_space<hbm>>, %arg4: memref<327680xi32, #tpu.memory_space<hbm>>, %arg5: memref<16384xi32, #tpu.memory_space<hbm>>, %arg6: memref<327680x32xf32, #tpu.memory_space<hbm>>, %arg7: memref<16384x32xf32, #tpu.memory_space<hbm>>, %arg8: memref<1024xi32, #tpu.memory_space<vmem>>, %arg9: memref<1024xi32, #tpu.memory_space<vmem>>, %arg10: memref<1024x32xf32, #tpu.memory_space<vmem>>, %arg11: memref<1024x32xf32, #tpu.memory_space<vmem>>, %arg12: memref<!tpu.dma_semaphore, #tpu.memory_space<semaphore_mem>>, %arg13: memref<!tpu.dma_semaphore, #tpu.memory_space<semaphore_mem>>) attributes {dimension_semantics = [#tpu.dimension_semantics<core_parallel>, #tpu.dimension_semantics<subcore_parallel>], iteration_bounds = array<i64: 2, 16>, scalar_prefetch = 0 : i64, scratch_operands = 6 : i64, tpu.core_type = #tpu.core_type<sc_vector_subcore>, window_params = [{transform_indices = #map}, {transform_indices = #map}, {transform_indices = #map1}, {transform_indices = #map1}, {transform_indices = #map}, {transform_indices = #map}]} {
    %mul3A = arith.constant 2 : i32
    %mul3A_0 = arith.muli %arg1, %mul3A : i32
    %add3A = arith.addi %mul3A_0, %arg0 : i32
    %mul3A_1 = arith.constant 10240 : i32
    %mul3A_2 = arith.muli %add3A, %mul3A_1 : i32
    "tpu.region"() ({
      %run_scoped3A = tpu.sem_alloc : memref<!tpu.dma_semaphore, #tpu.memory_space<semaphore_mem>>
      %dma_start3A_117 = tpu.memref_slice %arg4[%mul3A_2] : memref<327680xi32, #tpu.memory_space<hbm>> -> memref<1024xi32, #tpu.memory_space<hbm>>
      %dma_start3A_118 = tpu.memref_slice %arg4[%mul3A_2] : memref<327680xi32, #tpu.memory_space<hbm>> -> memref<1024xi32, #tpu.memory_space<hbm>>
      tpu.enqueue_dma source(%dma_start3A_118 : memref<1024xi32, #tpu.memory_space<hbm>>) target(%arg8 : memref<1024xi32, #tpu.memory_space<vmem>>) target_semaphore(%run_scoped3A : memref<!tpu.dma_semaphore, #tpu.memory_space<semaphore_mem>>)
      %dma_wait3A_119 = tpu.memref_slice %arg4[%mul3A_2] : memref<327680xi32, #tpu.memory_space<hbm>> -> memref<1024xi32, #tpu.memory_space<hbm>>
      %dma_wait3A_120 = tpu.memref_slice %arg4[%mul3A_2] : memref<327680xi32, #tpu.memory_space<hbm>> -> memref<1024xi32, #tpu.memory_space<hbm>>
      tpu.wait_dma2 semaphore(%run_scoped3A : memref<!tpu.dma_semaphore, #tpu.memory_space<semaphore_mem>>) src(%dma_wait3A_120 : memref<1024xi32, #tpu.memory_space<hbm>>) dst(%arg8 : memref<1024xi32, #tpu.memory_space<vmem>>)
      tpu.yield
    }) : () -> ()
    %dma_start3A = arith.constant 0 : i32
    %dma_start3A_3 = arith.constant 0 : i32
    %dma_start3A_4 = tpu.memref_slice %arg2[%dma_start3A, %dma_start3A_3] : memref<1048576x32xf32, #tpu.memory_space<hbm>> -> memref<1048576x32xf32, #tpu.memory_space<hbm>>
    tpu.enqueue_indirect_dma source(%dma_start3A_4 : memref<1048576x32xf32, #tpu.memory_space<hbm>>) target(%arg10 : memref<1024x32xf32, #tpu.memory_space<vmem>>) offsets(%arg8 : memref<1024xi32, #tpu.memory_space<vmem>>) semaphore(%arg12 : memref<!tpu.dma_semaphore, #tpu.memory_space<semaphore_mem>>)
    %add3A_5 = arith.constant 1024 : i32
    %add3A_6 = arith.addi %mul3A_2, %add3A_5 : i32
    "tpu.region"() ({
      %run_scoped3A = tpu.sem_alloc : memref<!tpu.dma_semaphore, #tpu.memory_space<semaphore_mem>>
      %dma_start3A_117 = tpu.memref_slice %arg4[%add3A_6] : memref<327680xi32, #tpu.memory_space<hbm>> -> memref<1024xi32, #tpu.memory_space<hbm>>
      %dma_start3A_118 = tpu.memref_slice %arg4[%add3A_6] : memref<327680xi32, #tpu.memory_space<hbm>> -> memref<1024xi32, #tpu.memory_space<hbm>>
      tpu.enqueue_dma source(%dma_start3A_118 : memref<1024xi32, #tpu.memory_space<hbm>>) target(%arg9 : memref<1024xi32, #tpu.memory_space<vmem>>) target_semaphore(%run_scoped3A : memref<!tpu.dma_semaphore, #tpu.memory_space<semaphore_mem>>)
      %dma_wait3A_119 = tpu.memref_slice %arg4[%add3A_6] : memref<327680xi32, #tpu.memory_space<hbm>> -> memref<1024xi32, #tpu.memory_space<hbm>>
      %dma_wait3A_120 = tpu.memref_slice %arg4[%add3A_6] : memref<327680xi32, #tpu.memory_space<hbm>> -> memref<1024xi32, #tpu.memory_space<hbm>>
      tpu.wait_dma2 semaphore(%run_scoped3A : memref<!tpu.dma_semaphore, #tpu.memory_space<semaphore_mem>>) src(%dma_wait3A_120 : memref<1024xi32, #tpu.memory_space<hbm>>) dst(%arg9 : memref<1024xi32, #tpu.memory_space<vmem>>)
      tpu.yield
    }) : () -> ()
    %dma_start3A_7 = arith.constant 0 : i32
    %dma_start3A_8 = arith.constant 0 : i32
    %dma_start3A_9 = tpu.memref_slice %arg2[%dma_start3A_7, %dma_start3A_8] : memref<1048576x32xf32, #tpu.memory_space<hbm>> -> memref<1048576x32xf32, #tpu.memory_space<hbm>>
    tpu.enqueue_indirect_dma source(%dma_start3A_9 : memref<1048576x32xf32, #tpu.memory_space<hbm>>) target(%arg11 : memref<1024x32xf32, #tpu.memory_space<vmem>>) offsets(%arg9 : memref<1024xi32, #tpu.memory_space<vmem>>) semaphore(%arg13 : memref<!tpu.dma_semaphore, #tpu.memory_space<semaphore_mem>>)
    %dma_wait3A = arith.constant 0 : i32
    %dma_wait3A_10 = arith.constant 0 : i32
    %dma_wait3A_11 = tpu.memref_slice %arg2[%dma_wait3A, %dma_wait3A_10] : memref<1048576x32xf32, #tpu.memory_space<hbm>> -> memref<1048576x32xf32, #tpu.memory_space<hbm>>
    tpu.wait_indirect_dma semaphore(%arg12 : memref<!tpu.dma_semaphore, #tpu.memory_space<semaphore_mem>>) src(%dma_wait3A_11 : memref<1048576x32xf32, #tpu.memory_space<hbm>>) dst(%arg10 : memref<1024x32xf32, #tpu.memory_space<vmem>>)
    %add3A_12 = arith.constant 0 : i32
    %add3A_13 = arith.addi %mul3A_2, %add3A_12 : i32
    "tpu.region"() ({
      %run_scoped3A = tpu.sem_alloc : memref<!tpu.dma_semaphore, #tpu.memory_space<semaphore_mem>>
      %dma_start3A_117 = arith.constant 0 : i32
      %dma_start3A_118 = tpu.memref_slice %arg6[%add3A_13, %dma_start3A_117] : memref<327680x32xf32, #tpu.memory_space<hbm>> -> memref<1024x32xf32, #tpu.memory_space<hbm>>
      %dma_start3A_119 = arith.constant 0 : i32
      %dma_start3A_120 = tpu.memref_slice %arg6[%add3A_13, %dma_start3A_119] : memref<327680x32xf32, #tpu.memory_space<hbm>> -> memref<1024x32xf32, #tpu.memory_space<hbm>>
      tpu.enqueue_dma source(%arg10 : memref<1024x32xf32, #tpu.memory_space<vmem>>) target(%dma_start3A_120 : memref<1024x32xf32, #tpu.memory_space<hbm>>) target_semaphore(%run_scoped3A : memref<!tpu.dma_semaphore, #tpu.memory_space<semaphore_mem>>)
      %dma_wait3A_121 = arith.constant 0 : i32
      %dma_wait3A_122 = tpu.memref_slice %arg6[%add3A_13, %dma_wait3A_121] : memref<327680x32xf32, #tpu.memory_space<hbm>> -> memref<1024x32xf32, #tpu.memory_space<hbm>>
      %dma_wait3A_123 = arith.constant 0 : i32
      %dma_wait3A_124 = tpu.memref_slice %arg6[%add3A_13, %dma_wait3A_123] : memref<327680x32xf32, #tpu.memory_space<hbm>> -> memref<1024x32xf32, #tpu.memory_space<hbm>>
      tpu.wait_dma2 semaphore(%run_scoped3A : memref<!tpu.dma_semaphore, #tpu.memory_space<semaphore_mem>>) src(%arg10 : memref<1024x32xf32, #tpu.memory_space<vmem>>) dst(%dma_wait3A_124 : memref<1024x32xf32, #tpu.memory_space<hbm>>)
      tpu.yield
    }) : () -> ()
    %add3A_14 = arith.constant 2048 : i32
    %add3A_15 = arith.addi %mul3A_2, %add3A_14 : i32
    "tpu.region"() ({
      %run_scoped3A = tpu.sem_alloc : memref<!tpu.dma_semaphore, #tpu.memory_space<semaphore_mem>>
      %dma_start3A_117 = tpu.memref_slice %arg4[%add3A_15] : memref<327680xi32, #tpu.memory_space<hbm>> -> memref<1024xi32, #tpu.memory_space<hbm>>
      %dma_start3A_118 = tpu.memref_slice %arg4[%add3A_15] : memref<327680xi32, #tpu.memory_space<hbm>> -> memref<1024xi32, #tpu.memory_space<hbm>>
      tpu.enqueue_dma source(%dma_start3A_118 : memref<1024xi32, #tpu.memory_space<hbm>>) target(%arg8 : memref<1024xi32, #tpu.memory_space<vmem>>) target_semaphore(%run_scoped3A : memref<!tpu.dma_semaphore, #tpu.memory_space<semaphore_mem>>)
      %dma_wait3A_119 = tpu.memref_slice %arg4[%add3A_15] : memref<327680xi32, #tpu.memory_space<hbm>> -> memref<1024xi32, #tpu.memory_space<hbm>>
      %dma_wait3A_120 = tpu.memref_slice %arg4[%add3A_15] : memref<327680xi32, #tpu.memory_space<hbm>> -> memref<1024xi32, #tpu.memory_space<hbm>>
      tpu.wait_dma2 semaphore(%run_scoped3A : memref<!tpu.dma_semaphore, #tpu.memory_space<semaphore_mem>>) src(%dma_wait3A_120 : memref<1024xi32, #tpu.memory_space<hbm>>) dst(%arg8 : memref<1024xi32, #tpu.memory_space<vmem>>)
      tpu.yield
    }) : () -> ()
    %dma_start3A_16 = arith.constant 0 : i32
    %dma_start3A_17 = arith.constant 0 : i32
    %dma_start3A_18 = tpu.memref_slice %arg2[%dma_start3A_16, %dma_start3A_17] : memref<1048576x32xf32, #tpu.memory_space<hbm>> -> memref<1048576x32xf32, #tpu.memory_space<hbm>>
    tpu.enqueue_indirect_dma source(%dma_start3A_18 : memref<1048576x32xf32, #tpu.memory_space<hbm>>) target(%arg10 : memref<1024x32xf32, #tpu.memory_space<vmem>>) offsets(%arg8 : memref<1024xi32, #tpu.memory_space<vmem>>) semaphore(%arg12 : memref<!tpu.dma_semaphore, #tpu.memory_space<semaphore_mem>>)
    %dma_wait3A_19 = arith.constant 0 : i32
    %dma_wait3A_20 = arith.constant 0 : i32
    %dma_wait3A_21 = tpu.memref_slice %arg2[%dma_wait3A_19, %dma_wait3A_20] : memref<1048576x32xf32, #tpu.memory_space<hbm>> -> memref<1048576x32xf32, #tpu.memory_space<hbm>>
    tpu.wait_indirect_dma semaphore(%arg13 : memref<!tpu.dma_semaphore, #tpu.memory_space<semaphore_mem>>) src(%dma_wait3A_21 : memref<1048576x32xf32, #tpu.memory_space<hbm>>) dst(%arg11 : memref<1024x32xf32, #tpu.memory_space<vmem>>)
    %add3A_22 = arith.constant 1024 : i32
    %add3A_23 = arith.addi %mul3A_2, %add3A_22 : i32
    "tpu.region"() ({
      %run_scoped3A = tpu.sem_alloc : memref<!tpu.dma_semaphore, #tpu.memory_space<semaphore_mem>>
      %dma_start3A_117 = arith.constant 0 : i32
      %dma_start3A_118 = tpu.memref_slice %arg6[%add3A_23, %dma_start3A_117] : memref<327680x32xf32, #tpu.memory_space<hbm>> -> memref<1024x32xf32, #tpu.memory_space<hbm>>
      %dma_start3A_119 = arith.constant 0 : i32
      %dma_start3A_120 = tpu.memref_slice %arg6[%add3A_23, %dma_start3A_119] : memref<327680x32xf32, #tpu.memory_space<hbm>> -> memref<1024x32xf32, #tpu.memory_space<hbm>>
      tpu.enqueue_dma source(%arg11 : memref<1024x32xf32, #tpu.memory_space<vmem>>) target(%dma_start3A_120 : memref<1024x32xf32, #tpu.memory_space<hbm>>) target_semaphore(%run_scoped3A : memref<!tpu.dma_semaphore, #tpu.memory_space<semaphore_mem>>)
      %dma_wait3A_121 = arith.constant 0 : i32
      %dma_wait3A_122 = tpu.memref_slice %arg6[%add3A_23, %dma_wait3A_121] : memref<327680x32xf32, #tpu.memory_space<hbm>> -> memref<1024x32xf32, #tpu.memory_space<hbm>>
      %dma_wait3A_123 = arith.constant 0 : i32
      %dma_wait3A_124 = tpu.memref_slice %arg6[%add3A_23, %dma_wait3A_123] : memref<327680x32xf32, #tpu.memory_space<hbm>> -> memref<1024x32xf32, #tpu.memory_space<hbm>>
      tpu.wait_dma2 semaphore(%run_scoped3A : memref<!tpu.dma_semaphore, #tpu.memory_space<semaphore_mem>>) src(%arg11 : memref<1024x32xf32, #tpu.memory_space<vmem>>) dst(%dma_wait3A_124 : memref<1024x32xf32, #tpu.memory_space<hbm>>)
      tpu.yield
    }) : () -> ()
    %add3A_24 = arith.constant 3072 : i32
    %add3A_25 = arith.addi %mul3A_2, %add3A_24 : i32
    "tpu.region"() ({
      %run_scoped3A = tpu.sem_alloc : memref<!tpu.dma_semaphore, #tpu.memory_space<semaphore_mem>>
      %dma_start3A_117 = tpu.memref_slice %arg4[%add3A_25] : memref<327680xi32, #tpu.memory_space<hbm>> -> memref<1024xi32, #tpu.memory_space<hbm>>
      %dma_start3A_118 = tpu.memref_slice %arg4[%add3A_25] : memref<327680xi32, #tpu.memory_space<hbm>> -> memref<1024xi32, #tpu.memory_space<hbm>>
      tpu.enqueue_dma source(%dma_start3A_118 : memref<1024xi32, #tpu.memory_space<hbm>>) target(%arg9 : memref<1024xi32, #tpu.memory_space<vmem>>) target_semaphore(%run_scoped3A : memref<!tpu.dma_semaphore, #tpu.memory_space<semaphore_mem>>)
      %dma_wait3A_119 = tpu.memref_slice %arg4[%add3A_25] : memref<327680xi32, #tpu.memory_space<hbm>> -> memref<1024xi32, #tpu.memory_space<hbm>>
      %dma_wait3A_120 = tpu.memref_slice %arg4[%add3A_25] : memref<327680xi32, #tpu.memory_space<hbm>> -> memref<1024xi32, #tpu.memory_space<hbm>>
      tpu.wait_dma2 semaphore(%run_scoped3A : memref<!tpu.dma_semaphore, #tpu.memory_space<semaphore_mem>>) src(%dma_wait3A_120 : memref<1024xi32, #tpu.memory_space<hbm>>) dst(%arg9 : memref<1024xi32, #tpu.memory_space<vmem>>)
      tpu.yield
    }) : () -> ()
    %dma_start3A_26 = arith.constant 0 : i32
    %dma_start3A_27 = arith.constant 0 : i32
    %dma_start3A_28 = tpu.memref_slice %arg2[%dma_start3A_26, %dma_start3A_27] : memref<1048576x32xf32, #tpu.memory_space<hbm>> -> memref<1048576x32xf32, #tpu.memory_space<hbm>>
    tpu.enqueue_indirect_dma source(%dma_start3A_28 : memref<1048576x32xf32, #tpu.memory_space<hbm>>) target(%arg11 : memref<1024x32xf32, #tpu.memory_space<vmem>>) offsets(%arg9 : memref<1024xi32, #tpu.memory_space<vmem>>) semaphore(%arg13 : memref<!tpu.dma_semaphore, #tpu.memory_space<semaphore_mem>>)
    %dma_wait3A_29 = arith.constant 0 : i32
    %dma_wait3A_30 = arith.constant 0 : i32
    %dma_wait3A_31 = tpu.memref_slice %arg2[%dma_wait3A_29, %dma_wait3A_30] : memref<1048576x32xf32, #tpu.memory_space<hbm>> -> memref<1048576x32xf32, #tpu.memory_space<hbm>>
    tpu.wait_indirect_dma semaphore(%arg12 : memref<!tpu.dma_semaphore, #tpu.memory_space<semaphore_mem>>) src(%dma_wait3A_31 : memref<1048576x32xf32, #tpu.memory_space<hbm>>) dst(%arg10 : memref<1024x32xf32, #tpu.memory_space<vmem>>)
    %add3A_32 = arith.constant 2048 : i32
    %add3A_33 = arith.addi %mul3A_2, %add3A_32 : i32
    "tpu.region"() ({
      %run_scoped3A = tpu.sem_alloc : memref<!tpu.dma_semaphore, #tpu.memory_space<semaphore_mem>>
      %dma_start3A_117 = arith.constant 0 : i32
      %dma_start3A_118 = tpu.memref_slice %arg6[%add3A_33, %dma_start3A_117] : memref<327680x32xf32, #tpu.memory_space<hbm>> -> memref<1024x32xf32, #tpu.memory_space<hbm>>
      %dma_start3A_119 = arith.constant 0 : i32
      %dma_start3A_120 = tpu.memref_slice %arg6[%add3A_33, %dma_start3A_119] : memref<327680x32xf32, #tpu.memory_space<hbm>> -> memref<1024x32xf32, #tpu.memory_space<hbm>>
      tpu.enqueue_dma source(%arg10 : memref<1024x32xf32, #tpu.memory_space<vmem>>) target(%dma_start3A_120 : memref<1024x32xf32, #tpu.memory_space<hbm>>) target_semaphore(%run_scoped3A : memref<!tpu.dma_semaphore, #tpu.memory_space<semaphore_mem>>)
      %dma_wait3A_121 = arith.constant 0 : i32
      %dma_wait3A_122 = tpu.memref_slice %arg6[%add3A_33, %dma_wait3A_121] : memref<327680x32xf32, #tpu.memory_space<hbm>> -> memref<1024x32xf32, #tpu.memory_space<hbm>>
      %dma_wait3A_123 = arith.constant 0 : i32
      %dma_wait3A_124 = tpu.memref_slice %arg6[%add3A_33, %dma_wait3A_123] : memref<327680x32xf32, #tpu.memory_space<hbm>> -> memref<1024x32xf32, #tpu.memory_space<hbm>>
      tpu.wait_dma2 semaphore(%run_scoped3A : memref<!tpu.dma_semaphore, #tpu.memory_space<semaphore_mem>>) src(%arg10 : memref<1024x32xf32, #tpu.memory_space<vmem>>) dst(%dma_wait3A_124 : memref<1024x32xf32, #tpu.memory_space<hbm>>)
      tpu.yield
    }) : () -> ()
    %add3A_34 = arith.constant 4096 : i32
    %add3A_35 = arith.addi %mul3A_2, %add3A_34 : i32
    "tpu.region"() ({
      %run_scoped3A = tpu.sem_alloc : memref<!tpu.dma_semaphore, #tpu.memory_space<semaphore_mem>>
      %dma_start3A_117 = tpu.memref_slice %arg4[%add3A_35] : memref<327680xi32, #tpu.memory_space<hbm>> -> memref<1024xi32, #tpu.memory_space<hbm>>
      %dma_start3A_118 = tpu.memref_slice %arg4[%add3A_35] : memref<327680xi32, #tpu.memory_space<hbm>> -> memref<1024xi32, #tpu.memory_space<hbm>>
      tpu.enqueue_dma source(%dma_start3A_118 : memref<1024xi32, #tpu.memory_space<hbm>>) target(%arg8 : memref<1024xi32, #tpu.memory_space<vmem>>) target_semaphore(%run_scoped3A : memref<!tpu.dma_semaphore, #tpu.memory_space<semaphore_mem>>)
      %dma_wait3A_119 = tpu.memref_slice %arg4[%add3A_35] : memref<327680xi32, #tpu.memory_space<hbm>> -> memref<1024xi32, #tpu.memory_space<hbm>>
      %dma_wait3A_120 = tpu.memref_slice %arg4[%add3A_35] : memref<327680xi32, #tpu.memory_space<hbm>> -> memref<1024xi32, #tpu.memory_space<hbm>>
      tpu.wait_dma2 semaphore(%run_scoped3A : memref<!tpu.dma_semaphore, #tpu.memory_space<semaphore_mem>>) src(%dma_wait3A_120 : memref<1024xi32, #tpu.memory_space<hbm>>) dst(%arg8 : memref<1024xi32, #tpu.memory_space<vmem>>)
      tpu.yield
    }) : () -> ()
    %dma_start3A_36 = arith.constant 0 : i32
    %dma_start3A_37 = arith.constant 0 : i32
    %dma_start3A_38 = tpu.memref_slice %arg2[%dma_start3A_36, %dma_start3A_37] : memref<1048576x32xf32, #tpu.memory_space<hbm>> -> memref<1048576x32xf32, #tpu.memory_space<hbm>>
    tpu.enqueue_indirect_dma source(%dma_start3A_38 : memref<1048576x32xf32, #tpu.memory_space<hbm>>) target(%arg10 : memref<1024x32xf32, #tpu.memory_space<vmem>>) offsets(%arg8 : memref<1024xi32, #tpu.memory_space<vmem>>) semaphore(%arg12 : memref<!tpu.dma_semaphore, #tpu.memory_space<semaphore_mem>>)
    %dma_wait3A_39 = arith.constant 0 : i32
    %dma_wait3A_40 = arith.constant 0 : i32
    %dma_wait3A_41 = tpu.memref_slice %arg2[%dma_wait3A_39, %dma_wait3A_40] : memref<1048576x32xf32, #tpu.memory_space<hbm>> -> memref<1048576x32xf32, #tpu.memory_space<hbm>>
    tpu.wait_indirect_dma semaphore(%arg13 : memref<!tpu.dma_semaphore, #tpu.memory_space<semaphore_mem>>) src(%dma_wait3A_41 : memref<1048576x32xf32, #tpu.memory_space<hbm>>) dst(%arg11 : memref<1024x32xf32, #tpu.memory_space<vmem>>)
    %add3A_42 = arith.constant 3072 : i32
    %add3A_43 = arith.addi %mul3A_2, %add3A_42 : i32
    "tpu.region"() ({
      %run_scoped3A = tpu.sem_alloc : memref<!tpu.dma_semaphore, #tpu.memory_space<semaphore_mem>>
      %dma_start3A_117 = arith.constant 0 : i32
      %dma_start3A_118 = tpu.memref_slice %arg6[%add3A_43, %dma_start3A_117] : memref<327680x32xf32, #tpu.memory_space<hbm>> -> memref<1024x32xf32, #tpu.memory_space<hbm>>
      %dma_start3A_119 = arith.constant 0 : i32
      %dma_start3A_120 = tpu.memref_slice %arg6[%add3A_43, %dma_start3A_119] : memref<327680x32xf32, #tpu.memory_space<hbm>> -> memref<1024x32xf32, #tpu.memory_space<hbm>>
      tpu.enqueue_dma source(%arg11 : memref<1024x32xf32, #tpu.memory_space<vmem>>) target(%dma_start3A_120 : memref<1024x32xf32, #tpu.memory_space<hbm>>) target_semaphore(%run_scoped3A : memref<!tpu.dma_semaphore, #tpu.memory_space<semaphore_mem>>)
      %dma_wait3A_121 = arith.constant 0 : i32
      %dma_wait3A_122 = tpu.memref_slice %arg6[%add3A_43, %dma_wait3A_121] : memref<327680x32xf32, #tpu.memory_space<hbm>> -> memref<1024x32xf32, #tpu.memory_space<hbm>>
      %dma_wait3A_123 = arith.constant 0 : i32
      %dma_wait3A_124 = tpu.memref_slice %arg6[%add3A_43, %dma_wait3A_123] : memref<327680x32xf32, #tpu.memory_space<hbm>> -> memref<1024x32xf32, #tpu.memory_space<hbm>>
      tpu.wait_dma2 semaphore(%run_scoped3A : memref<!tpu.dma_semaphore, #tpu.memory_space<semaphore_mem>>) src(%arg11 : memref<1024x32xf32, #tpu.memory_space<vmem>>) dst(%dma_wait3A_124 : memref<1024x32xf32, #tpu.memory_space<hbm>>)
      tpu.yield
    }) : () -> ()
    %add3A_44 = arith.constant 5120 : i32
    %add3A_45 = arith.addi %mul3A_2, %add3A_44 : i32
    "tpu.region"() ({
      %run_scoped3A = tpu.sem_alloc : memref<!tpu.dma_semaphore, #tpu.memory_space<semaphore_mem>>
      %dma_start3A_117 = tpu.memref_slice %arg4[%add3A_45] : memref<327680xi32, #tpu.memory_space<hbm>> -> memref<1024xi32, #tpu.memory_space<hbm>>
      %dma_start3A_118 = tpu.memref_slice %arg4[%add3A_45] : memref<327680xi32, #tpu.memory_space<hbm>> -> memref<1024xi32, #tpu.memory_space<hbm>>
      tpu.enqueue_dma source(%dma_start3A_118 : memref<1024xi32, #tpu.memory_space<hbm>>) target(%arg9 : memref<1024xi32, #tpu.memory_space<vmem>>) target_semaphore(%run_scoped3A : memref<!tpu.dma_semaphore, #tpu.memory_space<semaphore_mem>>)
      %dma_wait3A_119 = tpu.memref_slice %arg4[%add3A_45] : memref<327680xi32, #tpu.memory_space<hbm>> -> memref<1024xi32, #tpu.memory_space<hbm>>
      %dma_wait3A_120 = tpu.memref_slice %arg4[%add3A_45] : memref<327680xi32, #tpu.memory_space<hbm>> -> memref<1024xi32, #tpu.memory_space<hbm>>
      tpu.wait_dma2 semaphore(%run_scoped3A : memref<!tpu.dma_semaphore, #tpu.memory_space<semaphore_mem>>) src(%dma_wait3A_120 : memref<1024xi32, #tpu.memory_space<hbm>>) dst(%arg9 : memref<1024xi32, #tpu.memory_space<vmem>>)
      tpu.yield
    }) : () -> ()
    %dma_start3A_46 = arith.constant 0 : i32
    %dma_start3A_47 = arith.constant 0 : i32
    %dma_start3A_48 = tpu.memref_slice %arg2[%dma_start3A_46, %dma_start3A_47] : memref<1048576x32xf32, #tpu.memory_space<hbm>> -> memref<1048576x32xf32, #tpu.memory_space<hbm>>
    tpu.enqueue_indirect_dma source(%dma_start3A_48 : memref<1048576x32xf32, #tpu.memory_space<hbm>>) target(%arg11 : memref<1024x32xf32, #tpu.memory_space<vmem>>) offsets(%arg9 : memref<1024xi32, #tpu.memory_space<vmem>>) semaphore(%arg13 : memref<!tpu.dma_semaphore, #tpu.memory_space<semaphore_mem>>)
    %dma_wait3A_49 = arith.constant 0 : i32
    %dma_wait3A_50 = arith.constant 0 : i32
    %dma_wait3A_51 = tpu.memref_slice %arg2[%dma_wait3A_49, %dma_wait3A_50] : memref<1048576x32xf32, #tpu.memory_space<hbm>> -> memref<1048576x32xf32, #tpu.memory_space<hbm>>
    tpu.wait_indirect_dma semaphore(%arg12 : memref<!tpu.dma_semaphore, #tpu.memory_space<semaphore_mem>>) src(%dma_wait3A_51 : memref<1048576x32xf32, #tpu.memory_space<hbm>>) dst(%arg10 : memref<1024x32xf32, #tpu.memory_space<vmem>>)
    %add3A_52 = arith.constant 4096 : i32
    %add3A_53 = arith.addi %mul3A_2, %add3A_52 : i32
    "tpu.region"() ({
      %run_scoped3A = tpu.sem_alloc : memref<!tpu.dma_semaphore, #tpu.memory_space<semaphore_mem>>
      %dma_start3A_117 = arith.constant 0 : i32
      %dma_start3A_118 = tpu.memref_slice %arg6[%add3A_53, %dma_start3A_117] : memref<327680x32xf32, #tpu.memory_space<hbm>> -> memref<1024x32xf32, #tpu.memory_space<hbm>>
      %dma_start3A_119 = arith.constant 0 : i32
      %dma_start3A_120 = tpu.memref_slice %arg6[%add3A_53, %dma_start3A_119] : memref<327680x32xf32, #tpu.memory_space<hbm>> -> memref<1024x32xf32, #tpu.memory_space<hbm>>
      tpu.enqueue_dma source(%arg10 : memref<1024x32xf32, #tpu.memory_space<vmem>>) target(%dma_start3A_120 : memref<1024x32xf32, #tpu.memory_space<hbm>>) target_semaphore(%run_scoped3A : memref<!tpu.dma_semaphore, #tpu.memory_space<semaphore_mem>>)
      %dma_wait3A_121 = arith.constant 0 : i32
      %dma_wait3A_122 = tpu.memref_slice %arg6[%add3A_53, %dma_wait3A_121] : memref<327680x32xf32, #tpu.memory_space<hbm>> -> memref<1024x32xf32, #tpu.memory_space<hbm>>
      %dma_wait3A_123 = arith.constant 0 : i32
      %dma_wait3A_124 = tpu.memref_slice %arg6[%add3A_53, %dma_wait3A_123] : memref<327680x32xf32, #tpu.memory_space<hbm>> -> memref<1024x32xf32, #tpu.memory_space<hbm>>
      tpu.wait_dma2 semaphore(%run_scoped3A : memref<!tpu.dma_semaphore, #tpu.memory_space<semaphore_mem>>) src(%arg10 : memref<1024x32xf32, #tpu.memory_space<vmem>>) dst(%dma_wait3A_124 : memref<1024x32xf32, #tpu.memory_space<hbm>>)
      tpu.yield
    }) : () -> ()
    %add3A_54 = arith.constant 6144 : i32
    %add3A_55 = arith.addi %mul3A_2, %add3A_54 : i32
    "tpu.region"() ({
      %run_scoped3A = tpu.sem_alloc : memref<!tpu.dma_semaphore, #tpu.memory_space<semaphore_mem>>
      %dma_start3A_117 = tpu.memref_slice %arg4[%add3A_55] : memref<327680xi32, #tpu.memory_space<hbm>> -> memref<1024xi32, #tpu.memory_space<hbm>>
      %dma_start3A_118 = tpu.memref_slice %arg4[%add3A_55] : memref<327680xi32, #tpu.memory_space<hbm>> -> memref<1024xi32, #tpu.memory_space<hbm>>
      tpu.enqueue_dma source(%dma_start3A_118 : memref<1024xi32, #tpu.memory_space<hbm>>) target(%arg8 : memref<1024xi32, #tpu.memory_space<vmem>>) target_semaphore(%run_scoped3A : memref<!tpu.dma_semaphore, #tpu.memory_space<semaphore_mem>>)
      %dma_wait3A_119 = tpu.memref_slice %arg4[%add3A_55] : memref<327680xi32, #tpu.memory_space<hbm>> -> memref<1024xi32, #tpu.memory_space<hbm>>
      %dma_wait3A_120 = tpu.memref_slice %arg4[%add3A_55] : memref<327680xi32, #tpu.memory_space<hbm>> -> memref<1024xi32, #tpu.memory_space<hbm>>
      tpu.wait_dma2 semaphore(%run_scoped3A : memref<!tpu.dma_semaphore, #tpu.memory_space<semaphore_mem>>) src(%dma_wait3A_120 : memref<1024xi32, #tpu.memory_space<hbm>>) dst(%arg8 : memref<1024xi32, #tpu.memory_space<vmem>>)
      tpu.yield
    }) : () -> ()
    %dma_start3A_56 = arith.constant 0 : i32
    %dma_start3A_57 = arith.constant 0 : i32
    %dma_start3A_58 = tpu.memref_slice %arg2[%dma_start3A_56, %dma_start3A_57] : memref<1048576x32xf32, #tpu.memory_space<hbm>> -> memref<1048576x32xf32, #tpu.memory_space<hbm>>
    tpu.enqueue_indirect_dma source(%dma_start3A_58 : memref<1048576x32xf32, #tpu.memory_space<hbm>>) target(%arg10 : memref<1024x32xf32, #tpu.memory_space<vmem>>) offsets(%arg8 : memref<1024xi32, #tpu.memory_space<vmem>>) semaphore(%arg12 : memref<!tpu.dma_semaphore, #tpu.memory_space<semaphore_mem>>)
    %dma_wait3A_59 = arith.constant 0 : i32
    %dma_wait3A_60 = arith.constant 0 : i32
    %dma_wait3A_61 = tpu.memref_slice %arg2[%dma_wait3A_59, %dma_wait3A_60] : memref<1048576x32xf32, #tpu.memory_space<hbm>> -> memref<1048576x32xf32, #tpu.memory_space<hbm>>
    tpu.wait_indirect_dma semaphore(%arg13 : memref<!tpu.dma_semaphore, #tpu.memory_space<semaphore_mem>>) src(%dma_wait3A_61 : memref<1048576x32xf32, #tpu.memory_space<hbm>>) dst(%arg11 : memref<1024x32xf32, #tpu.memory_space<vmem>>)
    %add3A_62 = arith.constant 5120 : i32
    %add3A_63 = arith.addi %mul3A_2, %add3A_62 : i32
    "tpu.region"() ({
      %run_scoped3A = tpu.sem_alloc : memref<!tpu.dma_semaphore, #tpu.memory_space<semaphore_mem>>
      %dma_start3A_117 = arith.constant 0 : i32
      %dma_start3A_118 = tpu.memref_slice %arg6[%add3A_63, %dma_start3A_117] : memref<327680x32xf32, #tpu.memory_space<hbm>> -> memref<1024x32xf32, #tpu.memory_space<hbm>>
      %dma_start3A_119 = arith.constant 0 : i32
      %dma_start3A_120 = tpu.memref_slice %arg6[%add3A_63, %dma_start3A_119] : memref<327680x32xf32, #tpu.memory_space<hbm>> -> memref<1024x32xf32, #tpu.memory_space<hbm>>
      tpu.enqueue_dma source(%arg11 : memref<1024x32xf32, #tpu.memory_space<vmem>>) target(%dma_start3A_120 : memref<1024x32xf32, #tpu.memory_space<hbm>>) target_semaphore(%run_scoped3A : memref<!tpu.dma_semaphore, #tpu.memory_space<semaphore_mem>>)
      %dma_wait3A_121 = arith.constant 0 : i32
      %dma_wait3A_122 = tpu.memref_slice %arg6[%add3A_63, %dma_wait3A_121] : memref<327680x32xf32, #tpu.memory_space<hbm>> -> memref<1024x32xf32, #tpu.memory_space<hbm>>
      %dma_wait3A_123 = arith.constant 0 : i32
      %dma_wait3A_124 = tpu.memref_slice %arg6[%add3A_63, %dma_wait3A_123] : memref<327680x32xf32, #tpu.memory_space<hbm>> -> memref<1024x32xf32, #tpu.memory_space<hbm>>
      tpu.wait_dma2 semaphore(%run_scoped3A : memref<!tpu.dma_semaphore, #tpu.memory_space<semaphore_mem>>) src(%arg11 : memref<1024x32xf32, #tpu.memory_space<vmem>>) dst(%dma_wait3A_124 : memref<1024x32xf32, #tpu.memory_space<hbm>>)
      tpu.yield
    }) : () -> ()
    %add3A_64 = arith.constant 7168 : i32
    %add3A_65 = arith.addi %mul3A_2, %add3A_64 : i32
    "tpu.region"() ({
      %run_scoped3A = tpu.sem_alloc : memref<!tpu.dma_semaphore, #tpu.memory_space<semaphore_mem>>
      %dma_start3A_117 = tpu.memref_slice %arg4[%add3A_65] : memref<327680xi32, #tpu.memory_space<hbm>> -> memref<1024xi32, #tpu.memory_space<hbm>>
      %dma_start3A_118 = tpu.memref_slice %arg4[%add3A_65] : memref<327680xi32, #tpu.memory_space<hbm>> -> memref<1024xi32, #tpu.memory_space<hbm>>
      tpu.enqueue_dma source(%dma_start3A_118 : memref<1024xi32, #tpu.memory_space<hbm>>) target(%arg9 : memref<1024xi32, #tpu.memory_space<vmem>>) target_semaphore(%run_scoped3A : memref<!tpu.dma_semaphore, #tpu.memory_space<semaphore_mem>>)
      %dma_wait3A_119 = tpu.memref_slice %arg4[%add3A_65] : memref<327680xi32, #tpu.memory_space<hbm>> -> memref<1024xi32, #tpu.memory_space<hbm>>
      %dma_wait3A_120 = tpu.memref_slice %arg4[%add3A_65] : memref<327680xi32, #tpu.memory_space<hbm>> -> memref<1024xi32, #tpu.memory_space<hbm>>
      tpu.wait_dma2 semaphore(%run_scoped3A : memref<!tpu.dma_semaphore, #tpu.memory_space<semaphore_mem>>) src(%dma_wait3A_120 : memref<1024xi32, #tpu.memory_space<hbm>>) dst(%arg9 : memref<1024xi32, #tpu.memory_space<vmem>>)
      tpu.yield
    }) : () -> ()
    %dma_start3A_66 = arith.constant 0 : i32
    %dma_start3A_67 = arith.constant 0 : i32
    %dma_start3A_68 = tpu.memref_slice %arg2[%dma_start3A_66, %dma_start3A_67] : memref<1048576x32xf32, #tpu.memory_space<hbm>> -> memref<1048576x32xf32, #tpu.memory_space<hbm>>
    tpu.enqueue_indirect_dma source(%dma_start3A_68 : memref<1048576x32xf32, #tpu.memory_space<hbm>>) target(%arg11 : memref<1024x32xf32, #tpu.memory_space<vmem>>) offsets(%arg9 : memref<1024xi32, #tpu.memory_space<vmem>>) semaphore(%arg13 : memref<!tpu.dma_semaphore, #tpu.memory_space<semaphore_mem>>)
    %dma_wait3A_69 = arith.constant 0 : i32
    %dma_wait3A_70 = arith.constant 0 : i32
    %dma_wait3A_71 = tpu.memref_slice %arg2[%dma_wait3A_69, %dma_wait3A_70] : memref<1048576x32xf32, #tpu.memory_space<hbm>> -> memref<1048576x32xf32, #tpu.memory_space<hbm>>
    tpu.wait_indirect_dma semaphore(%arg12 : memref<!tpu.dma_semaphore, #tpu.memory_space<semaphore_mem>>) src(%dma_wait3A_71 : memref<1048576x32xf32, #tpu.memory_space<hbm>>) dst(%arg10 : memref<1024x32xf32, #tpu.memory_space<vmem>>)
    %add3A_72 = arith.constant 6144 : i32
    %add3A_73 = arith.addi %mul3A_2, %add3A_72 : i32
    "tpu.region"() ({
      %run_scoped3A = tpu.sem_alloc : memref<!tpu.dma_semaphore, #tpu.memory_space<semaphore_mem>>
      %dma_start3A_117 = arith.constant 0 : i32
      %dma_start3A_118 = tpu.memref_slice %arg6[%add3A_73, %dma_start3A_117] : memref<327680x32xf32, #tpu.memory_space<hbm>> -> memref<1024x32xf32, #tpu.memory_space<hbm>>
      %dma_start3A_119 = arith.constant 0 : i32
      %dma_start3A_120 = tpu.memref_slice %arg6[%add3A_73, %dma_start3A_119] : memref<327680x32xf32, #tpu.memory_space<hbm>> -> memref<1024x32xf32, #tpu.memory_space<hbm>>
      tpu.enqueue_dma source(%arg10 : memref<1024x32xf32, #tpu.memory_space<vmem>>) target(%dma_start3A_120 : memref<1024x32xf32, #tpu.memory_space<hbm>>) target_semaphore(%run_scoped3A : memref<!tpu.dma_semaphore, #tpu.memory_space<semaphore_mem>>)
      %dma_wait3A_121 = arith.constant 0 : i32
      %dma_wait3A_122 = tpu.memref_slice %arg6[%add3A_73, %dma_wait3A_121] : memref<327680x32xf32, #tpu.memory_space<hbm>> -> memref<1024x32xf32, #tpu.memory_space<hbm>>
      %dma_wait3A_123 = arith.constant 0 : i32
      %dma_wait3A_124 = tpu.memref_slice %arg6[%add3A_73, %dma_wait3A_123] : memref<327680x32xf32, #tpu.memory_space<hbm>> -> memref<1024x32xf32, #tpu.memory_space<hbm>>
      tpu.wait_dma2 semaphore(%run_scoped3A : memref<!tpu.dma_semaphore, #tpu.memory_space<semaphore_mem>>) src(%arg10 : memref<1024x32xf32, #tpu.memory_space<vmem>>) dst(%dma_wait3A_124 : memref<1024x32xf32, #tpu.memory_space<hbm>>)
      tpu.yield
    }) : () -> ()
    %add3A_74 = arith.constant 8192 : i32
    %add3A_75 = arith.addi %mul3A_2, %add3A_74 : i32
    "tpu.region"() ({
      %run_scoped3A = tpu.sem_alloc : memref<!tpu.dma_semaphore, #tpu.memory_space<semaphore_mem>>
      %dma_start3A_117 = tpu.memref_slice %arg4[%add3A_75] : memref<327680xi32, #tpu.memory_space<hbm>> -> memref<1024xi32, #tpu.memory_space<hbm>>
      %dma_start3A_118 = tpu.memref_slice %arg4[%add3A_75] : memref<327680xi32, #tpu.memory_space<hbm>> -> memref<1024xi32, #tpu.memory_space<hbm>>
      tpu.enqueue_dma source(%dma_start3A_118 : memref<1024xi32, #tpu.memory_space<hbm>>) target(%arg8 : memref<1024xi32, #tpu.memory_space<vmem>>) target_semaphore(%run_scoped3A : memref<!tpu.dma_semaphore, #tpu.memory_space<semaphore_mem>>)
      %dma_wait3A_119 = tpu.memref_slice %arg4[%add3A_75] : memref<327680xi32, #tpu.memory_space<hbm>> -> memref<1024xi32, #tpu.memory_space<hbm>>
      %dma_wait3A_120 = tpu.memref_slice %arg4[%add3A_75] : memref<327680xi32, #tpu.memory_space<hbm>> -> memref<1024xi32, #tpu.memory_space<hbm>>
      tpu.wait_dma2 semaphore(%run_scoped3A : memref<!tpu.dma_semaphore, #tpu.memory_space<semaphore_mem>>) src(%dma_wait3A_120 : memref<1024xi32, #tpu.memory_space<hbm>>) dst(%arg8 : memref<1024xi32, #tpu.memory_space<vmem>>)
      tpu.yield
    }) : () -> ()
    %dma_start3A_76 = arith.constant 0 : i32
    %dma_start3A_77 = arith.constant 0 : i32
    %dma_start3A_78 = tpu.memref_slice %arg2[%dma_start3A_76, %dma_start3A_77] : memref<1048576x32xf32, #tpu.memory_space<hbm>> -> memref<1048576x32xf32, #tpu.memory_space<hbm>>
    tpu.enqueue_indirect_dma source(%dma_start3A_78 : memref<1048576x32xf32, #tpu.memory_space<hbm>>) target(%arg10 : memref<1024x32xf32, #tpu.memory_space<vmem>>) offsets(%arg8 : memref<1024xi32, #tpu.memory_space<vmem>>) semaphore(%arg12 : memref<!tpu.dma_semaphore, #tpu.memory_space<semaphore_mem>>)
    %dma_wait3A_79 = arith.constant 0 : i32
    %dma_wait3A_80 = arith.constant 0 : i32
    %dma_wait3A_81 = tpu.memref_slice %arg2[%dma_wait3A_79, %dma_wait3A_80] : memref<1048576x32xf32, #tpu.memory_space<hbm>> -> memref<1048576x32xf32, #tpu.memory_space<hbm>>
    tpu.wait_indirect_dma semaphore(%arg13 : memref<!tpu.dma_semaphore, #tpu.memory_space<semaphore_mem>>) src(%dma_wait3A_81 : memref<1048576x32xf32, #tpu.memory_space<hbm>>) dst(%arg11 : memref<1024x32xf32, #tpu.memory_space<vmem>>)
    %add3A_82 = arith.constant 7168 : i32
    %add3A_83 = arith.addi %mul3A_2, %add3A_82 : i32
    "tpu.region"() ({
      %run_scoped3A = tpu.sem_alloc : memref<!tpu.dma_semaphore, #tpu.memory_space<semaphore_mem>>
      %dma_start3A_117 = arith.constant 0 : i32
      %dma_start3A_118 = tpu.memref_slice %arg6[%add3A_83, %dma_start3A_117] : memref<327680x32xf32, #tpu.memory_space<hbm>> -> memref<1024x32xf32, #tpu.memory_space<hbm>>
      %dma_start3A_119 = arith.constant 0 : i32
      %dma_start3A_120 = tpu.memref_slice %arg6[%add3A_83, %dma_start3A_119] : memref<327680x32xf32, #tpu.memory_space<hbm>> -> memref<1024x32xf32, #tpu.memory_space<hbm>>
      tpu.enqueue_dma source(%arg11 : memref<1024x32xf32, #tpu.memory_space<vmem>>) target(%dma_start3A_120 : memref<1024x32xf32, #tpu.memory_space<hbm>>) target_semaphore(%run_scoped3A : memref<!tpu.dma_semaphore, #tpu.memory_space<semaphore_mem>>)
      %dma_wait3A_121 = arith.constant 0 : i32
      %dma_wait3A_122 = tpu.memref_slice %arg6[%add3A_83, %dma_wait3A_121] : memref<327680x32xf32, #tpu.memory_space<hbm>> -> memref<1024x32xf32, #tpu.memory_space<hbm>>
      %dma_wait3A_123 = arith.constant 0 : i32
      %dma_wait3A_124 = tpu.memref_slice %arg6[%add3A_83, %dma_wait3A_123] : memref<327680x32xf32, #tpu.memory_space<hbm>> -> memref<1024x32xf32, #tpu.memory_space<hbm>>
      tpu.wait_dma2 semaphore(%run_scoped3A : memref<!tpu.dma_semaphore, #tpu.memory_space<semaphore_mem>>) src(%arg11 : memref<1024x32xf32, #tpu.memory_space<vmem>>) dst(%dma_wait3A_124 : memref<1024x32xf32, #tpu.memory_space<hbm>>)
      tpu.yield
    }) : () -> ()
    %add3A_84 = arith.constant 9216 : i32
    %add3A_85 = arith.addi %mul3A_2, %add3A_84 : i32
    "tpu.region"() ({
      %run_scoped3A = tpu.sem_alloc : memref<!tpu.dma_semaphore, #tpu.memory_space<semaphore_mem>>
      %dma_start3A_117 = tpu.memref_slice %arg4[%add3A_85] : memref<327680xi32, #tpu.memory_space<hbm>> -> memref<1024xi32, #tpu.memory_space<hbm>>
      %dma_start3A_118 = tpu.memref_slice %arg4[%add3A_85] : memref<327680xi32, #tpu.memory_space<hbm>> -> memref<1024xi32, #tpu.memory_space<hbm>>
      tpu.enqueue_dma source(%dma_start3A_118 : memref<1024xi32, #tpu.memory_space<hbm>>) target(%arg9 : memref<1024xi32, #tpu.memory_space<vmem>>) target_semaphore(%run_scoped3A : memref<!tpu.dma_semaphore, #tpu.memory_space<semaphore_mem>>)
      %dma_wait3A_119 = tpu.memref_slice %arg4[%add3A_85] : memref<327680xi32, #tpu.memory_space<hbm>> -> memref<1024xi32, #tpu.memory_space<hbm>>
      %dma_wait3A_120 = tpu.memref_slice %arg4[%add3A_85] : memref<327680xi32, #tpu.memory_space<hbm>> -> memref<1024xi32, #tpu.memory_space<hbm>>
      tpu.wait_dma2 semaphore(%run_scoped3A : memref<!tpu.dma_semaphore, #tpu.memory_space<semaphore_mem>>) src(%dma_wait3A_120 : memref<1024xi32, #tpu.memory_space<hbm>>) dst(%arg9 : memref<1024xi32, #tpu.memory_space<vmem>>)
      tpu.yield
    }) : () -> ()
    %dma_start3A_86 = arith.constant 0 : i32
    %dma_start3A_87 = arith.constant 0 : i32
    %dma_start3A_88 = tpu.memref_slice %arg2[%dma_start3A_86, %dma_start3A_87] : memref<1048576x32xf32, #tpu.memory_space<hbm>> -> memref<1048576x32xf32, #tpu.memory_space<hbm>>
    tpu.enqueue_indirect_dma source(%dma_start3A_88 : memref<1048576x32xf32, #tpu.memory_space<hbm>>) target(%arg11 : memref<1024x32xf32, #tpu.memory_space<vmem>>) offsets(%arg9 : memref<1024xi32, #tpu.memory_space<vmem>>) semaphore(%arg13 : memref<!tpu.dma_semaphore, #tpu.memory_space<semaphore_mem>>)
    %dma_wait3A_89 = arith.constant 0 : i32
    %dma_wait3A_90 = arith.constant 0 : i32
    %dma_wait3A_91 = tpu.memref_slice %arg2[%dma_wait3A_89, %dma_wait3A_90] : memref<1048576x32xf32, #tpu.memory_space<hbm>> -> memref<1048576x32xf32, #tpu.memory_space<hbm>>
    tpu.wait_indirect_dma semaphore(%arg12 : memref<!tpu.dma_semaphore, #tpu.memory_space<semaphore_mem>>) src(%dma_wait3A_91 : memref<1048576x32xf32, #tpu.memory_space<hbm>>) dst(%arg10 : memref<1024x32xf32, #tpu.memory_space<vmem>>)
    %add3A_92 = arith.constant 8192 : i32
    %add3A_93 = arith.addi %mul3A_2, %add3A_92 : i32
    "tpu.region"() ({
      %run_scoped3A = tpu.sem_alloc : memref<!tpu.dma_semaphore, #tpu.memory_space<semaphore_mem>>
      %dma_start3A_117 = arith.constant 0 : i32
      %dma_start3A_118 = tpu.memref_slice %arg6[%add3A_93, %dma_start3A_117] : memref<327680x32xf32, #tpu.memory_space<hbm>> -> memref<1024x32xf32, #tpu.memory_space<hbm>>
      %dma_start3A_119 = arith.constant 0 : i32
      %dma_start3A_120 = tpu.memref_slice %arg6[%add3A_93, %dma_start3A_119] : memref<327680x32xf32, #tpu.memory_space<hbm>> -> memref<1024x32xf32, #tpu.memory_space<hbm>>
      tpu.enqueue_dma source(%arg10 : memref<1024x32xf32, #tpu.memory_space<vmem>>) target(%dma_start3A_120 : memref<1024x32xf32, #tpu.memory_space<hbm>>) target_semaphore(%run_scoped3A : memref<!tpu.dma_semaphore, #tpu.memory_space<semaphore_mem>>)
      %dma_wait3A_121 = arith.constant 0 : i32
      %dma_wait3A_122 = tpu.memref_slice %arg6[%add3A_93, %dma_wait3A_121] : memref<327680x32xf32, #tpu.memory_space<hbm>> -> memref<1024x32xf32, #tpu.memory_space<hbm>>
      %dma_wait3A_123 = arith.constant 0 : i32
      %dma_wait3A_124 = tpu.memref_slice %arg6[%add3A_93, %dma_wait3A_123] : memref<327680x32xf32, #tpu.memory_space<hbm>> -> memref<1024x32xf32, #tpu.memory_space<hbm>>
      tpu.wait_dma2 semaphore(%run_scoped3A : memref<!tpu.dma_semaphore, #tpu.memory_space<semaphore_mem>>) src(%arg10 : memref<1024x32xf32, #tpu.memory_space<vmem>>) dst(%dma_wait3A_124 : memref<1024x32xf32, #tpu.memory_space<hbm>>)
      tpu.yield
    }) : () -> ()
    %dma_wait3A_94 = arith.constant 0 : i32
    %dma_wait3A_95 = arith.constant 0 : i32
    %dma_wait3A_96 = tpu.memref_slice %arg2[%dma_wait3A_94, %dma_wait3A_95] : memref<1048576x32xf32, #tpu.memory_space<hbm>> -> memref<1048576x32xf32, #tpu.memory_space<hbm>>
    tpu.wait_indirect_dma semaphore(%arg13 : memref<!tpu.dma_semaphore, #tpu.memory_space<semaphore_mem>>) src(%dma_wait3A_96 : memref<1048576x32xf32, #tpu.memory_space<hbm>>) dst(%arg11 : memref<1024x32xf32, #tpu.memory_space<vmem>>)
    %add3A_97 = arith.constant 9216 : i32
    %add3A_98 = arith.addi %mul3A_2, %add3A_97 : i32
    "tpu.region"() ({
      %run_scoped3A = tpu.sem_alloc : memref<!tpu.dma_semaphore, #tpu.memory_space<semaphore_mem>>
      %dma_start3A_117 = arith.constant 0 : i32
      %dma_start3A_118 = tpu.memref_slice %arg6[%add3A_98, %dma_start3A_117] : memref<327680x32xf32, #tpu.memory_space<hbm>> -> memref<1024x32xf32, #tpu.memory_space<hbm>>
      %dma_start3A_119 = arith.constant 0 : i32
      %dma_start3A_120 = tpu.memref_slice %arg6[%add3A_98, %dma_start3A_119] : memref<327680x32xf32, #tpu.memory_space<hbm>> -> memref<1024x32xf32, #tpu.memory_space<hbm>>
      tpu.enqueue_dma source(%arg11 : memref<1024x32xf32, #tpu.memory_space<vmem>>) target(%dma_start3A_120 : memref<1024x32xf32, #tpu.memory_space<hbm>>) target_semaphore(%run_scoped3A : memref<!tpu.dma_semaphore, #tpu.memory_space<semaphore_mem>>)
      %dma_wait3A_121 = arith.constant 0 : i32
      %dma_wait3A_122 = tpu.memref_slice %arg6[%add3A_98, %dma_wait3A_121] : memref<327680x32xf32, #tpu.memory_space<hbm>> -> memref<1024x32xf32, #tpu.memory_space<hbm>>
      %dma_wait3A_123 = arith.constant 0 : i32
      %dma_wait3A_124 = tpu.memref_slice %arg6[%add3A_98, %dma_wait3A_123] : memref<327680x32xf32, #tpu.memory_space<hbm>> -> memref<1024x32xf32, #tpu.memory_space<hbm>>
      tpu.wait_dma2 semaphore(%run_scoped3A : memref<!tpu.dma_semaphore, #tpu.memory_space<semaphore_mem>>) src(%arg11 : memref<1024x32xf32, #tpu.memory_space<vmem>>) dst(%dma_wait3A_124 : memref<1024x32xf32, #tpu.memory_space<hbm>>)
      tpu.yield
    }) : () -> ()
    %mul3A_99 = arith.constant 512 : i32
    %mul3A_100 = arith.muli %add3A, %mul3A_99 : i32
    "tpu.region"() ({
      %run_scoped3A = tpu.sem_alloc : memref<!tpu.dma_semaphore, #tpu.memory_space<semaphore_mem>>
      %dma_start3A_117 = arith.constant 0 : i32
      %dma_start3A_118 = tpu.memref_slice %arg8[%dma_start3A_117] : memref<1024xi32, #tpu.memory_space<vmem>> -> memref<512xi32, #tpu.memory_space<vmem>>
      %dma_start3A_119 = tpu.memref_slice %arg5[%mul3A_100] : memref<16384xi32, #tpu.memory_space<hbm>> -> memref<512xi32, #tpu.memory_space<hbm>>
      %dma_start3A_120 = arith.constant 0 : i32
      %dma_start3A_121 = tpu.memref_slice %arg8[%dma_start3A_120] : memref<1024xi32, #tpu.memory_space<vmem>> -> memref<512xi32, #tpu.memory_space<vmem>>
      %dma_start3A_122 = tpu.memref_slice %arg5[%mul3A_100] : memref<16384xi32, #tpu.memory_space<hbm>> -> memref<512xi32, #tpu.memory_space<hbm>>
      tpu.enqueue_dma source(%dma_start3A_122 : memref<512xi32, #tpu.memory_space<hbm>>) target(%dma_start3A_121 : memref<512xi32, #tpu.memory_space<vmem>>) target_semaphore(%run_scoped3A : memref<!tpu.dma_semaphore, #tpu.memory_space<semaphore_mem>>)
      %dma_wait3A_123 = arith.constant 0 : i32
      %dma_wait3A_124 = tpu.memref_slice %arg8[%dma_wait3A_123] : memref<1024xi32, #tpu.memory_space<vmem>> -> memref<512xi32, #tpu.memory_space<vmem>>
      %dma_wait3A_125 = tpu.memref_slice %arg5[%mul3A_100] : memref<16384xi32, #tpu.memory_space<hbm>> -> memref<512xi32, #tpu.memory_space<hbm>>
      %dma_wait3A_126 = arith.constant 0 : i32
      %dma_wait3A_127 = tpu.memref_slice %arg8[%dma_wait3A_126] : memref<1024xi32, #tpu.memory_space<vmem>> -> memref<512xi32, #tpu.memory_space<vmem>>
      %dma_wait3A_128 = tpu.memref_slice %arg5[%mul3A_100] : memref<16384xi32, #tpu.memory_space<hbm>> -> memref<512xi32, #tpu.memory_space<hbm>>
      tpu.wait_dma2 semaphore(%run_scoped3A : memref<!tpu.dma_semaphore, #tpu.memory_space<semaphore_mem>>) src(%dma_wait3A_128 : memref<512xi32, #tpu.memory_space<hbm>>) dst(%dma_wait3A_127 : memref<512xi32, #tpu.memory_space<vmem>>)
      tpu.yield
    }) : () -> ()
    %dma_start3A_101 = arith.constant 0 : i32
    %dma_start3A_102 = arith.constant 0 : i32
    %dma_start3A_103 = tpu.memref_slice %arg10[%dma_start3A_101, %dma_start3A_102] : memref<1024x32xf32, #tpu.memory_space<vmem>> -> memref<512x32xf32, #tpu.memory_space<vmem>>
    %dma_start3A_104 = arith.constant 0 : i32
    %dma_start3A_105 = tpu.memref_slice %arg8[%dma_start3A_104] : memref<1024xi32, #tpu.memory_space<vmem>> -> memref<512xi32, #tpu.memory_space<vmem>>
    %dma_start3A_106 = arith.constant 0 : i32
    %dma_start3A_107 = arith.constant 0 : i32
    %dma_start3A_108 = tpu.memref_slice %arg3[%dma_start3A_106, %dma_start3A_107] : memref<1048576x32xf32, #tpu.memory_space<hbm>> -> memref<1048576x32xf32, #tpu.memory_space<hbm>>
    tpu.enqueue_indirect_dma source(%dma_start3A_108 : memref<1048576x32xf32, #tpu.memory_space<hbm>>) target(%dma_start3A_103 : memref<512x32xf32, #tpu.memory_space<vmem>>) offsets(%dma_start3A_105 : memref<512xi32, #tpu.memory_space<vmem>>) semaphore(%arg12 : memref<!tpu.dma_semaphore, #tpu.memory_space<semaphore_mem>>)
    %dma_wait3A_109 = arith.constant 0 : i32
    %dma_wait3A_110 = arith.constant 0 : i32
    %dma_wait3A_111 = tpu.memref_slice %arg10[%dma_wait3A_109, %dma_wait3A_110] : memref<1024x32xf32, #tpu.memory_space<vmem>> -> memref<512x32xf32, #tpu.memory_space<vmem>>
    %dma_wait3A_112 = arith.constant 0 : i32
    %dma_wait3A_113 = tpu.memref_slice %arg8[%dma_wait3A_112] : memref<1024xi32, #tpu.memory_space<vmem>> -> memref<512xi32, #tpu.memory_space<vmem>>
    %dma_wait3A_114 = arith.constant 0 : i32
    %dma_wait3A_115 = arith.constant 0 : i32
    %dma_wait3A_116 = tpu.memref_slice %arg3[%dma_wait3A_114, %dma_wait3A_115] : memref<1048576x32xf32, #tpu.memory_space<hbm>> -> memref<1048576x32xf32, #tpu.memory_space<hbm>>
    tpu.wait_indirect_dma semaphore(%arg12 : memref<!tpu.dma_semaphore, #tpu.memory_space<semaphore_mem>>) src(%dma_wait3A_116 : memref<1048576x32xf32, #tpu.memory_space<hbm>>) dst(%dma_wait3A_111 : memref<512x32xf32, #tpu.memory_space<vmem>>)
    "tpu.region"() ({
      %run_scoped3A = tpu.sem_alloc : memref<!tpu.dma_semaphore, #tpu.memory_space<semaphore_mem>>
      %dma_start3A_117 = arith.constant 0 : i32
      %dma_start3A_118 = arith.constant 0 : i32
      %dma_start3A_119 = tpu.memref_slice %arg10[%dma_start3A_117, %dma_start3A_118] : memref<1024x32xf32, #tpu.memory_space<vmem>> -> memref<512x32xf32, #tpu.memory_space<vmem>>
      %dma_start3A_120 = arith.constant 0 : i32
      %dma_start3A_121 = tpu.memref_slice %arg7[%mul3A_100, %dma_start3A_120] : memref<16384x32xf32, #tpu.memory_space<hbm>> -> memref<512x32xf32, #tpu.memory_space<hbm>>
      %dma_start3A_122 = arith.constant 0 : i32
      %dma_start3A_123 = tpu.memref_slice %arg7[%mul3A_100, %dma_start3A_122] : memref<16384x32xf32, #tpu.memory_space<hbm>> -> memref<512x32xf32, #tpu.memory_space<hbm>>
      %dma_start3A_124 = arith.constant 0 : i32
      %dma_start3A_125 = arith.constant 0 : i32
      %dma_start3A_126 = tpu.memref_slice %arg10[%dma_start3A_124, %dma_start3A_125] : memref<1024x32xf32, #tpu.memory_space<vmem>> -> memref<512x32xf32, #tpu.memory_space<vmem>>
      tpu.enqueue_dma source(%dma_start3A_126 : memref<512x32xf32, #tpu.memory_space<vmem>>) target(%dma_start3A_123 : memref<512x32xf32, #tpu.memory_space<hbm>>) target_semaphore(%run_scoped3A : memref<!tpu.dma_semaphore, #tpu.memory_space<semaphore_mem>>)
      %dma_wait3A_127 = arith.constant 0 : i32
      %dma_wait3A_128 = arith.constant 0 : i32
      %dma_wait3A_129 = tpu.memref_slice %arg10[%dma_wait3A_127, %dma_wait3A_128] : memref<1024x32xf32, #tpu.memory_space<vmem>> -> memref<512x32xf32, #tpu.memory_space<vmem>>
      %dma_wait3A_130 = arith.constant 0 : i32
      %dma_wait3A_131 = tpu.memref_slice %arg7[%mul3A_100, %dma_wait3A_130] : memref<16384x32xf32, #tpu.memory_space<hbm>> -> memref<512x32xf32, #tpu.memory_space<hbm>>
      %dma_wait3A_132 = arith.constant 0 : i32
      %dma_wait3A_133 = tpu.memref_slice %arg7[%mul3A_100, %dma_wait3A_132] : memref<16384x32xf32, #tpu.memory_space<hbm>> -> memref<512x32xf32, #tpu.memory_space<hbm>>
      %dma_wait3A_134 = arith.constant 0 : i32
      %dma_wait3A_135 = arith.constant 0 : i32
      %dma_wait3A_136 = tpu.memref_slice %arg10[%dma_wait3A_134, %dma_wait3A_135] : memref<1024x32xf32, #tpu.memory_space<vmem>> -> memref<512x32xf32, #tpu.memory_space<vmem>>
      tpu.wait_dma2 semaphore(%run_scoped3A : memref<!tpu.dma_semaphore, #tpu.memory_space<semaphore_mem>>) src(%dma_wait3A_136 : memref<512x32xf32, #tpu.memory_space<vmem>>) dst(%dma_wait3A_133 : memref<512x32xf32, #tpu.memory_space<hbm>>)
      tpu.yield
    }) : () -> ()
    return
  }
}

module attributes {stable_mosaic.version = 14 : i64} {
  func.func @_transpose_body(%arg0: i32, %arg1: memref<32x2048xf32, #tpu.memory_space<vmem>>, %arg2: memref<32x2048xf32, #tpu.memory_space<vmem>>, %arg3: memref<32x2048xf32, #tpu.memory_space<vmem>>, %arg4: memref<32x2048xf32, #tpu.memory_space<vmem>>, %arg5: memref<32x2048xf32, #tpu.memory_space<vmem>>, %arg6: memref<32x2048xf32, #tpu.memory_space<vmem>>, %arg7: memref<32x2048xf32, #tpu.memory_space<vmem>>, %arg8: memref<32x2048xf32, #tpu.memory_space<vmem>>, %arg9: memref<2048x128xf32, #tpu.memory_space<vmem>>, %arg10: memref<2048x128xf32, #tpu.memory_space<vmem>>) attributes {dimension_semantics = [#tpu.dimension_semantics<arbitrary>], iteration_bounds = array<i64: 128>, scalar_prefetch = 0 : i64, scratch_operands = 0 : i64, tpu.core_type = #tpu.core_type<tc>, window_params = [{transform_indices = @transform_0, window_bounds = array<i64: 32, 2048>}, {transform_indices = @transform_1, window_bounds = array<i64: 32, 2048>}, {transform_indices = @transform_2, window_bounds = array<i64: 32, 2048>}, {transform_indices = @transform_3, window_bounds = array<i64: 32, 2048>}, {transform_indices = @transform_4, window_bounds = array<i64: 32, 2048>}, {transform_indices = @transform_5, window_bounds = array<i64: 32, 2048>}, {transform_indices = @transform_6, window_bounds = array<i64: 32, 2048>}, {transform_indices = @transform_7, window_bounds = array<i64: 32, 2048>}, {transform_indices = @transform_8, window_bounds = array<i64: 2048, 128>}, {transform_indices = @transform_9, window_bounds = array<i64: 2048, 128>}]} {
    %iota3A = tpu.iota {dimensions = array<i32: 0>} : vector<128x128xi32>
    %iota3A_0 = tpu.iota {dimensions = array<i32: 1>} : vector<128x128xi32>
    %eq3A = arith.cmpi eq, %iota3A, %iota3A_0 : vector<128x128xi32>
    %convert_element_type3A = arith.extui %eq3A : vector<128x128xi1> to vector<128x128xi32>
    %convert_element_type3A_1 = arith.sitofp %convert_element_type3A : vector<128x128xi32> to vector<128x128xf32>
    %get3A = arith.constant 0 : index
    %get3A_2 = arith.constant 0 : index
    %get3A_3 = vector.load %arg1[%get3A, %get3A_2] : memref<32x2048xf32, #tpu.memory_space<vmem>>, vector<32x2048xf32>
    %get3A_4 = arith.constant 0 : index
    %get3A_5 = arith.constant 0 : index
    %get3A_6 = vector.load %arg2[%get3A_4, %get3A_5] : memref<32x2048xf32, #tpu.memory_space<vmem>>, vector<32x2048xf32>
    %get3A_7 = arith.constant 0 : index
    %get3A_8 = arith.constant 0 : index
    %get3A_9 = vector.load %arg3[%get3A_7, %get3A_8] : memref<32x2048xf32, #tpu.memory_space<vmem>>, vector<32x2048xf32>
    %get3A_10 = arith.constant 0 : index
    %get3A_11 = arith.constant 0 : index
    %get3A_12 = vector.load %arg4[%get3A_10, %get3A_11] : memref<32x2048xf32, #tpu.memory_space<vmem>>, vector<32x2048xf32>
    %concatenate3A = tpu.concatenate %get3A_3, %get3A_6, %get3A_9, %get3A_12 in 0 : vector<32x2048xf32>, vector<32x2048xf32>, vector<32x2048xf32>, vector<32x2048xf32> -> vector<128x2048xf32>
    %get3A_13 = arith.constant 0 : index
    %get3A_14 = arith.constant 0 : index
    %get3A_15 = vector.load %arg5[%get3A_13, %get3A_14] : memref<32x2048xf32, #tpu.memory_space<vmem>>, vector<32x2048xf32>
    %get3A_16 = arith.constant 0 : index
    %get3A_17 = arith.constant 0 : index
    %get3A_18 = vector.load %arg6[%get3A_16, %get3A_17] : memref<32x2048xf32, #tpu.memory_space<vmem>>, vector<32x2048xf32>
    %get3A_19 = arith.constant 0 : index
    %get3A_20 = arith.constant 0 : index
    %get3A_21 = vector.load %arg7[%get3A_19, %get3A_20] : memref<32x2048xf32, #tpu.memory_space<vmem>>, vector<32x2048xf32>
    %get3A_22 = arith.constant 0 : index
    %get3A_23 = arith.constant 0 : index
    %get3A_24 = vector.load %arg8[%get3A_22, %get3A_23] : memref<32x2048xf32, #tpu.memory_space<vmem>>, vector<32x2048xf32>
    %concatenate3A_25 = tpu.concatenate %get3A_15, %get3A_18, %get3A_21, %get3A_24 in 0 : vector<32x2048xf32>, vector<32x2048xf32>, vector<32x2048xf32>, vector<32x2048xf32> -> vector<128x2048xf32>
    %dot_general3A = arith.constant dense<0.000000e+00> : vector<2048x128xf32>
    %dot_general3A_26 = tpu.matmul %concatenate3A, %convert_element_type3A_1, %dot_general3A {dimension_numbers = #tpu.dot_dimension_numbers<[0], [0], [1], [1], [0, 1, 1, 1], [], []>, transpose_lhs_hint = false} : vector<128x2048xf32>, vector<128x128xf32>, vector<2048x128xf32> -> vector<2048x128xf32>
    %swap3A = arith.constant 0 : index
    %swap3A_27 = arith.constant 0 : index
    %swap3A_28 = vector.load %arg9[%swap3A, %swap3A_27] : memref<2048x128xf32, #tpu.memory_space<vmem>>, vector<2048x128xf32>
    tpu.vector_store %arg9[%swap3A, %swap3A_27], %dot_general3A_26 {strides = array<i32>} : memref<2048x128xf32, #tpu.memory_space<vmem>>, vector<2048x128xf32>,
    %dot_general3A_29 = arith.constant dense<0.000000e+00> : vector<2048x128xf32>
    %dot_general3A_30 = tpu.matmul %concatenate3A_25, %convert_element_type3A_1, %dot_general3A_29 {dimension_numbers = #tpu.dot_dimension_numbers<[0], [0], [1], [1], [0, 1, 1, 1], [], []>, transpose_lhs_hint = false} : vector<128x2048xf32>, vector<128x128xf32>, vector<2048x128xf32> -> vector<2048x128xf32>
    %swap3A_31 = arith.constant 0 : index
    %swap3A_32 = arith.constant 0 : index
    %swap3A_33 = vector.load %arg10[%swap3A_31, %swap3A_32] : memref<2048x128xf32, #tpu.memory_space<vmem>>, vector<2048x128xf32>
    tpu.vector_store %arg10[%swap3A_31, %swap3A_32], %dot_general3A_30 {strides = array<i32>} : memref<2048x128xf32, #tpu.memory_space<vmem>>, vector<2048x128xf32>,
    return
  }
  func.func @transform_0(%arg0: i32) -> (i32, i32) {
    %add3A = arith.constant 0 : i32
    %add3A_0 = arith.addi %add3A, %arg0 : i32
    %min3A = arith.constant 487 : i32
    %min3A_1 = arith.minsi %add3A_0, %min3A : i32
    %c0_i32 = arith.constant 0 : i32
    %c0_i32_2 = arith.constant 0 : i32
    return %c0_i32, %min3A_1 : i32, i32
  }
  func.func @transform_1(%arg0: i32) -> (i32, i32) {
    %add3A = arith.constant 128 : i32
    %add3A_0 = arith.addi %add3A, %arg0 : i32
    %min3A = arith.constant 487 : i32
    %min3A_1 = arith.minsi %add3A_0, %min3A : i32
    %c0_i32 = arith.constant 0 : i32
    %c0_i32_2 = arith.constant 0 : i32
    return %c0_i32, %min3A_1 : i32, i32
  }
  func.func @transform_2(%arg0: i32) -> (i32, i32) {
    %add3A = arith.constant 256 : i32
    %add3A_0 = arith.addi %add3A, %arg0 : i32
    %min3A = arith.constant 487 : i32
    %min3A_1 = arith.minsi %add3A_0, %min3A : i32
    %c0_i32 = arith.constant 0 : i32
    %c0_i32_2 = arith.constant 0 : i32
    return %c0_i32, %min3A_1 : i32, i32
  }
  func.func @transform_3(%arg0: i32) -> (i32, i32) {
    %add3A = arith.constant 384 : i32
    %add3A_0 = arith.addi %add3A, %arg0 : i32
    %min3A = arith.constant 487 : i32
    %min3A_1 = arith.minsi %add3A_0, %min3A : i32
    %c0_i32 = arith.constant 0 : i32
    %c0_i32_2 = arith.constant 0 : i32
    return %c0_i32, %min3A_1 : i32, i32
  }
  func.func @transform_4(%arg0: i32) -> (i32, i32) {
    %add3A = arith.constant 0 : i32
    %add3A_0 = arith.addi %add3A, %arg0 : i32
    %min3A = arith.constant 487 : i32
    %min3A_1 = arith.minsi %add3A_0, %min3A : i32
    %c0_i32 = arith.constant 0 : i32
    %c0_i32_2 = arith.constant 0 : i32
    return %c0_i32, %min3A_1 : i32, i32
  }
  func.func @transform_5(%arg0: i32) -> (i32, i32) {
    %add3A = arith.constant 128 : i32
    %add3A_0 = arith.addi %add3A, %arg0 : i32
    %min3A = arith.constant 487 : i32
    %min3A_1 = arith.minsi %add3A_0, %min3A : i32
    %c0_i32 = arith.constant 0 : i32
    %c0_i32_2 = arith.constant 0 : i32
    return %c0_i32, %min3A_1 : i32, i32
  }
  func.func @transform_6(%arg0: i32) -> (i32, i32) {
    %add3A = arith.constant 256 : i32
    %add3A_0 = arith.addi %add3A, %arg0 : i32
    %min3A = arith.constant 487 : i32
    %min3A_1 = arith.minsi %add3A_0, %min3A : i32
    %c0_i32 = arith.constant 0 : i32
    %c0_i32_2 = arith.constant 0 : i32
    return %c0_i32, %min3A_1 : i32, i32
  }
  func.func @transform_7(%arg0: i32) -> (i32, i32) {
    %add3A = arith.constant 384 : i32
    %add3A_0 = arith.addi %add3A, %arg0 : i32
    %min3A = arith.constant 487 : i32
    %min3A_1 = arith.minsi %add3A_0, %min3A : i32
    %c0_i32 = arith.constant 0 : i32
    %c0_i32_2 = arith.constant 0 : i32
    return %c0_i32, %min3A_1 : i32, i32
  }
  func.func @transform_8(%arg0: i32) -> (i32, i32) {
    %c0_i32 = arith.constant 0 : i32
    %c0_i32_0 = arith.constant 0 : i32
    return %arg0, %c0_i32 : i32, i32
  }
  func.func @transform_9(%arg0: i32) -> (i32, i32) {
    %c0_i32 = arith.constant 0 : i32
    %c0_i32_0 = arith.constant 0 : i32
    return %arg0, %c0_i32 : i32, i32
  }
}

module attributes {stable_mosaic.version = 14 : i64} {
  func.func @_dense_body(%arg0: i32, %arg1: memref<2560x128xf32, #tpu.memory_space<vmem>>, %arg2: memref<512x32xf32, #tpu.memory_space<vmem>>, %arg3: memref<32x128xf32, #tpu.memory_space<vmem>>, %arg4: memref<1x128xf32, #tpu.memory_space<vmem>>, %arg5: memref<128x128xf32, #tpu.memory_space<vmem>>, %arg6: memref<128x128xf32, #tpu.memory_space<vmem>>, %arg7: memref<1x128xf32, #tpu.memory_space<vmem>>, %arg8: memref<128x4xf32, #tpu.memory_space<vmem>>, %arg9: memref<4x128xf32, #tpu.memory_space<vmem>>, %arg10: memref<128x32xf32, #tpu.memory_space<vmem>>, %arg11: memref<512x32xf32, #tpu.memory_space<vmem>>) attributes {dimension_semantics = [#tpu.dimension_semantics<arbitrary>], iteration_bounds = array<i64: 32>, scalar_prefetch = 0 : i64, scratch_operands = 0 : i64, tpu.core_type = #tpu.core_type<tc>, window_params = [{transform_indices = @transform_0, window_bounds = array<i64: 2560, 128>}, {transform_indices = @transform_1, window_bounds = array<i64: 512, 32>}, {pipeline_mode = #tpu.pipeline_mode<synchronous>, transform_indices = @transform_2, window_bounds = array<i64: 32, 128>}, {pipeline_mode = #tpu.pipeline_mode<synchronous>, transform_indices = @transform_3, window_bounds = array<i64: 1, 128>}, {pipeline_mode = #tpu.pipeline_mode<synchronous>, transform_indices = @transform_4, window_bounds = array<i64: 128, 128>}, {pipeline_mode = #tpu.pipeline_mode<synchronous>, transform_indices = @transform_5, window_bounds = array<i64: 128, 128>}, {pipeline_mode = #tpu.pipeline_mode<synchronous>, transform_indices = @transform_6, window_bounds = array<i64: 1, 128>}, {pipeline_mode = #tpu.pipeline_mode<synchronous>, transform_indices = @transform_7, window_bounds = array<i64: 128, 4>}, {pipeline_mode = #tpu.pipeline_mode<synchronous>, transform_indices = @transform_8, window_bounds = array<i64: 4, 128>}, {pipeline_mode = #tpu.pipeline_mode<synchronous>, transform_indices = @transform_9, window_bounds = array<i64: 128, 32>}, {transform_indices = @transform_10, window_bounds = array<i64: 512, 32>}]} {
    %get3A = arith.constant 0 : index
    %get3A_0 = arith.constant 0 : index
    %get3A_1 = vector.load %arg1[%get3A, %get3A_0] : memref<2560x128xf32, #tpu.memory_space<vmem>>, vector<2560x128xf32>
    %get3A_2 = arith.constant 0 : index
    %get3A_3 = arith.constant 0 : index
    %get3A_4 = vector.load %arg2[%get3A_2, %get3A_3] : memref<512x32xf32, #tpu.memory_space<vmem>>, vector<512x32xf32>
    %get3A_5 = arith.constant 0 : index
    %get3A_6 = arith.constant 0 : index
    %get3A_7 = vector.load %arg3[%get3A_5, %get3A_6] : memref<32x128xf32, #tpu.memory_space<vmem>>, vector<32x128xf32>
    %dot_general3A = arith.constant dense<0.000000e+00> : vector<512x128xf32>
    %dot_general3A_8 = tpu.matmul %get3A_4, %get3A_7, %dot_general3A {dimension_numbers = #tpu.dot_dimension_numbers<[1], [0], [0], [1], [0, 0, 1, 1], [], []>, transpose_lhs_hint = false} : vector<512x32xf32>, vector<32x128xf32>, vector<512x128xf32> -> vector<512x128xf32>
    %get3A_9 = arith.constant 0 : index
    %get3A_10 = arith.constant 0 : index
    %get3A_11 = vector.load %arg4[%get3A_9, %get3A_10] : memref<1x128xf32, #tpu.memory_space<vmem>>, vector<1x128xf32>
    %add3A = vector.broadcast %get3A_11 : vector<1x128xf32> to vector<512x128xf32>
    %add3A_12 = arith.addf %dot_general3A_8, %add3A : vector<512x128xf32>
    %get3A_13 = arith.constant 0 : index
    %get3A_14 = arith.constant 0 : index
    %get3A_15 = vector.load %arg5[%get3A_13, %get3A_14] : memref<128x128xf32, #tpu.memory_space<vmem>>, vector<128x128xf32>
    %dot_general3A_16 = arith.constant dense<0.000000e+00> : vector<2560x128xf32>
    %dot_general3A_17 = tpu.matmul %get3A_1, %get3A_15, %dot_general3A_16 {dimension_numbers = #tpu.dot_dimension_numbers<[1], [0], [0], [1], [0, 0, 1, 1], [], []>, transpose_lhs_hint = false} : vector<2560x128xf32>, vector<128x128xf32>, vector<2560x128xf32> -> vector<2560x128xf32>
    %reshape3A = vector.shape_cast %dot_general3A_17 : vector<2560x128xf32> to vector<512x5x128xf32>
    %broadcast_in_dim3A = vector.shape_cast %add3A_12 : vector<512x128xf32> to vector<512x1x128xf32>
    %add3A_18 = vector.broadcast %broadcast_in_dim3A : vector<512x1x128xf32> to vector<512x5x128xf32>
    %add3A_19 = arith.addf %reshape3A, %add3A_18 : vector<512x5x128xf32>
    %max3A = arith.constant 0.000000e+00 : f32
    %max3A_20 = vector.broadcast %max3A : f32 to vector<512x5x128xf32>
    %max3A_21 = arith.maximumf %add3A_19, %max3A_20 : vector<512x5x128xf32>
    %reshape3A_22 = vector.shape_cast %max3A_21 : vector<512x5x128xf32> to vector<2560x128xf32>
    %get3A_23 = arith.constant 0 : index
    %get3A_24 = arith.constant 0 : index
    %get3A_25 = vector.load %arg6[%get3A_23, %get3A_24] : memref<128x128xf32, #tpu.memory_space<vmem>>, vector<128x128xf32>
    %dot_general3A_26 = arith.constant dense<0.000000e+00> : vector<2560x128xf32>
    %dot_general3A_27 = tpu.matmul %reshape3A_22, %get3A_25, %dot_general3A_26 {dimension_numbers = #tpu.dot_dimension_numbers<[1], [0], [0], [1], [0, 0, 1, 1], [], []>, transpose_lhs_hint = false} : vector<2560x128xf32>, vector<128x128xf32>, vector<2560x128xf32> -> vector<2560x128xf32>
    %get3A_28 = arith.constant 0 : index
    %get3A_29 = arith.constant 0 : index
    %get3A_30 = vector.load %arg7[%get3A_28, %get3A_29] : memref<1x128xf32, #tpu.memory_space<vmem>>, vector<1x128xf32>
    %add3A_31 = vector.broadcast %get3A_30 : vector<1x128xf32> to vector<2560x128xf32>
    %add3A_32 = arith.addf %dot_general3A_27, %add3A_31 : vector<2560x128xf32>
    %max3A_33 = arith.constant 0.000000e+00 : f32
    %max3A_34 = vector.broadcast %max3A_33 : f32 to vector<2560x128xf32>
    %max3A_35 = arith.maximumf %add3A_32, %max3A_34 : vector<2560x128xf32>
    %get3A_36 = arith.constant 0 : index
    %get3A_37 = arith.constant 0 : index
    %get3A_38 = vector.load %arg8[%get3A_36, %get3A_37] : memref<128x4xf32, #tpu.memory_space<vmem>>, vector<128x4xf32>
    %dot_general3A_39 = arith.constant dense<0.000000e+00> : vector<2560x4xf32>
    %dot_general3A_40 = tpu.matmul %max3A_35, %get3A_38, %dot_general3A_39 {dimension_numbers = #tpu.dot_dimension_numbers<[1], [0], [0], [1], [0, 0, 1, 1], [], []>, transpose_lhs_hint = false} : vector<2560x128xf32>, vector<128x4xf32>, vector<2560x4xf32> -> vector<2560x4xf32>
    %exp3A = math.exp %dot_general3A_40 : vector<2560x4xf32>
    %broadcast_in_dim3A_41 = arith.constant 1.000000e+00 : f32
    %broadcast_in_dim3A_42 = vector.broadcast %broadcast_in_dim3A_41 : f32 to vector<4x4xf32>
    %dot_general3A_43 = arith.constant dense<0.000000e+00> : vector<2560x4xf32>
    %dot_general3A_44 = tpu.matmul %exp3A, %broadcast_in_dim3A_42, %dot_general3A_43 {dimension_numbers = #tpu.dot_dimension_numbers<[1], [0], [0], [1], [0, 0, 1, 1], [], []>, transpose_lhs_hint = false} : vector<2560x4xf32>, vector<4x4xf32>, vector<2560x4xf32> -> vector<2560x4xf32>
    %reshape3A_45 = vector.shape_cast %dot_general3A_44 : vector<2560x4xf32> to vector<512x5x4xf32>
    %reduce_sum3A = arith.constant dense<0.000000e+00> : vector<512x4xf32>
    %reduce_sum3A_46 = vector.multi_reduction <add>, %reshape3A_45, %reduce_sum3A [1] : vector<512x5x4xf32> to vector<512x4xf32>
    %broadcast_in_dim3A_47 = vector.shape_cast %reduce_sum3A_46 : vector<512x4xf32> to vector<512x1x4xf32>
    %broadcast_in_dim3A_48 = vector.shape_cast %broadcast_in_dim3A_47 : vector<512x1x4xf32> to vector<512x1x4xf32>
    %broadcast_in_dim3A_49 = vector.broadcast %broadcast_in_dim3A_48 : vector<512x1x4xf32> to vector<512x5x4xf32>
    %reshape3A_50 = vector.shape_cast %exp3A : vector<2560x4xf32> to vector<512x5x4xf32>
    %div3A = arith.divf %reshape3A_50, %broadcast_in_dim3A_49 : vector<512x5x4xf32>
    %reshape3A_51 = vector.shape_cast %div3A : vector<512x5x4xf32> to vector<2560x4xf32>
    %get3A_52 = arith.constant 0 : index
    %get3A_53 = arith.constant 0 : index
    %get3A_54 = vector.load %arg9[%get3A_52, %get3A_53] : memref<4x128xf32, #tpu.memory_space<vmem>>, vector<4x128xf32>
    %dot_general3A_55 = arith.constant dense<0.000000e+00> : vector<2560x128xf32>
    %dot_general3A_56 = tpu.matmul %reshape3A_51, %get3A_54, %dot_general3A_55 {dimension_numbers = #tpu.dot_dimension_numbers<[1], [0], [0], [1], [0, 0, 1, 1], [], []>, transpose_lhs_hint = false} : vector<2560x4xf32>, vector<4x128xf32>, vector<2560x128xf32> -> vector<2560x128xf32>
    %mul3A = arith.mulf %get3A_1, %dot_general3A_56 : vector<2560x128xf32>
    %get3A_57 = arith.constant 0 : index
    %get3A_58 = arith.constant 0 : index
    %get3A_59 = vector.load %arg10[%get3A_57, %get3A_58] : memref<128x32xf32, #tpu.memory_space<vmem>>, vector<128x32xf32>
    %dot_general3A_60 = arith.constant dense<0.000000e+00> : vector<2560x32xf32>
    %dot_general3A_61 = tpu.matmul %mul3A, %get3A_59, %dot_general3A_60 {dimension_numbers = #tpu.dot_dimension_numbers<[1], [0], [0], [1], [0, 0, 1, 1], [], []>, transpose_lhs_hint = false} : vector<2560x128xf32>, vector<128x32xf32>, vector<2560x32xf32> -> vector<2560x32xf32>
    %reshape3A_62 = vector.shape_cast %dot_general3A_61 : vector<2560x32xf32> to vector<512x5x32xf32>
    %reduce_sum3A_63 = arith.constant dense<0.000000e+00> : vector<512x32xf32>
    %reduce_sum3A_64 = vector.multi_reduction <add>, %reshape3A_62, %reduce_sum3A_63 [1] : vector<512x5x32xf32> to vector<512x32xf32>
    %swap3A = arith.constant 0 : index
    %swap3A_65 = arith.constant 0 : index
    %swap3A_66 = vector.load %arg11[%swap3A, %swap3A_65] : memref<512x32xf32, #tpu.memory_space<vmem>>, vector<512x32xf32>
    tpu.vector_store %arg11[%swap3A, %swap3A_65], %reduce_sum3A_64 {strides = array<i32>} : memref<512x32xf32, #tpu.memory_space<vmem>>, vector<512x32xf32>,
    return
  }
  func.func @transform_0(%arg0: i32) -> (i32, i32) {
    %c0_i32 = arith.constant 0 : i32
    %c0_i32_0 = arith.constant 0 : i32
    return %arg0, %c0_i32 : i32, i32
  }
  func.func @transform_1(%arg0: i32) -> (i32, i32) {
    %c0_i32 = arith.constant 0 : i32
    %c0_i32_0 = arith.constant 0 : i32
    return %arg0, %c0_i32 : i32, i32
  }
  func.func @transform_2(%arg0: i32) -> (i32, i32) {
    %c0_i32 = arith.constant 0 : i32
    %c0_i32_0 = arith.constant 0 : i32
    %c0_i32_1 = arith.constant 0 : i32
    return %c0_i32, %c0_i32_0 : i32, i32
  }
  func.func @transform_3(%arg0: i32) -> (i32, i32) {
    %c0_i32 = arith.constant 0 : i32
    %c0_i32_0 = arith.constant 0 : i32
    %c0_i32_1 = arith.constant 0 : i32
    return %c0_i32, %c0_i32_0 : i32, i32
  }
  func.func @transform_4(%arg0: i32) -> (i32, i32) {
    %c0_i32 = arith.constant 0 : i32
    %c0_i32_0 = arith.constant 0 : i32
    %c0_i32_1 = arith.constant 0 : i32
    return %c0_i32, %c0_i32_0 : i32, i32
  }
  func.func @transform_5(%arg0: i32) -> (i32, i32) {
    %c0_i32 = arith.constant 0 : i32
    %c0_i32_0 = arith.constant 0 : i32
    %c0_i32_1 = arith.constant 0 : i32
    return %c0_i32, %c0_i32_0 : i32, i32
  }
  func.func @transform_6(%arg0: i32) -> (i32, i32) {
    %c0_i32 = arith.constant 0 : i32
    %c0_i32_0 = arith.constant 0 : i32
    %c0_i32_1 = arith.constant 0 : i32
    return %c0_i32, %c0_i32_0 : i32, i32
  }
  func.func @transform_7(%arg0: i32) -> (i32, i32) {
    %c0_i32 = arith.constant 0 : i32
    %c0_i32_0 = arith.constant 0 : i32
    %c0_i32_1 = arith.constant 0 : i32
    return %c0_i32, %c0_i32_0 : i32, i32
  }
  func.func @transform_8(%arg0: i32) -> (i32, i32) {
    %c0_i32 = arith.constant 0 : i32
    %c0_i32_0 = arith.constant 0 : i32
    %c0_i32_1 = arith.constant 0 : i32
    return %c0_i32, %c0_i32_0 : i32, i32
  }
  func.func @transform_9(%arg0: i32) -> (i32, i32) {
    %c0_i32 = arith.constant 0 : i32
    %c0_i32_0 = arith.constant 0 : i32
    %c0_i32_1 = arith.constant 0 : i32
    return %c0_i32, %c0_i32_0 : i32, i32
  }
  func.func @transform_10(%arg0: i32) -> (i32, i32) {
    %c0_i32 = arith.constant 0 : i32
    %c0_i32_0 = arith.constant 0 : i32
    return %arg0, %c0_i32 : i32, i32
  }
}

</mosaic_0001>

<sc_bundles>
// kernel: kernel.5.cloned.1.call-start
scs
__scs_entry_jumppad:
0x0: {  	(pc) =	sbr.rel $0x88, $3  }
0x1: {  	(tag) =	ssettag $0x0;
	lr =	simm.s32 $0x1  }
0x2: {  	[smem:$0x3F98] =	sst lr;
	_ =	strace $0xD0000000  }
0x3: {  	_ = 	snop  }
0x4: {  	_ = 	snop  }
0x5: {  	_ = 	snop  }
0x6: {  	_ = 	snop  }
0x7: {  	_ = 	snop  }
__scs_overlays_trampoline_lowered:
0x8: {  	[smem:$0x3FA7] =	sst s0  }
0x9: {  	[smem:$0x3FA8] =	sst s1  }
0xa: {  	[smem:$0x3FA9] =	sst s2  }
0xb: {  	[smem:$0x3FAA] =	sst s3  }
0xc: {  	[smem:$0x3FAB] =	sst s4  }
0xd: {  	[smem:$0x3FAC] =	sst s5  }
0xe: {  	[smem:$0x3FAD] =	sst s6  }
0xf: {  	[smem:$0x3FAE] =	sst s7  }
0x10: {  	[smem:$0x3FAF] =	sst s8  }
0x11: {  	[smem:$0x3FB0] =	sst s9;
	s0 =	simm.s32 @!p0 $0x0  }
0x12: {  	s1 =	sld [smem:$0x3F96];
	s0 =	simm.s32 @p0 $0x1  }
0x13: {  	[smem:$0x3FB1] =	sst s0;
	s0 =	simm.s32 @!p1 $0x0  }
0x14: {  	s2 =	sld [smem:$0x3F95];
	s0 =	simm.s32 @p1 $0x1  }
0x15: {  	[smem:$0x3FB2] =	sst s0;
	s0 =	simm.s32 @!p2 $0x0  }
0x16: {  	s3 =	sld [smem:$0x3FDB];
	s0 =	simm.s32 @p2 $0x1  }
0x17: {  	s4 =	simm.s32 $0x1BF5;
	[smem:$0x3FB4] =	sst s0  }
0x18: {  	s0 =	sld [smem:$0x3F97];
	_ =	swait.ge [sflag:s4], $0x0  }
0x19: {  	s7 =	sld [smem:$0x3F98]  }
0x1a: {  	s8 =	sadd.s32 $0xFFFFE003, lr  }
0x1b: {  	s9 =	sadd.s32 $0xFFFFFEF7, lr;
	s5 =	simm.s32 $0xFFFFFFFF;
	p2 =	slt.u32 s8, $0xFFFFF086  }
0x1c: {  	p1 =	slt.u32 s9, $0xF7A;
	s5 =	simm.s32 @!p2 $0x0  }
0x1d: {  	s5 =	simm.s32 @p1 $0x1;
	p0 =	seq.s32 s7, s2  }
0x1e: {  	s7 =	smul.u32 @!p0 $0xF7A, s2;
	p2 =	seq.s32 @!p0 s5, $0x0  }
0x1f: {  	s9 =	smul.u32 $0xF7A, s1;
	s8 =	simm.s32 @!p0 $0x1BF5;
	p2 =	por !p2, p0  }
0x20: {  	[sflag:s8] =	ssyncset.s32 @!p0 $0xFFFFF086;
	s6 =	sadd.s32 @!p0 s3, s7;
	s7 =	simm.s32 @!p0 $0x108  }
0x21: {  	s3 =	sadd.s32 s3, s9;
	s6 =	sadd.s32 @!p0 $0x88, s6;
	s7 =	simm.s32 @p2 $0x1082  }
0x22: {  	[simem:s7], [sflag:s8] =	dma.local @!p0 [hbm:s6], $0xF7A  }
0x23: {  	s9 =	sor.u32 $0xD0000000, s2;
	s6 =	simm.s32 $0x108;
	_ =	swait.ge @!p0 [sflag:s8], $0x0  }
0x24: {  	s3 =	sadd.s32 $0x88, s3;
	s6 =	simm.s32 @!p1 $0x1082;
	[sflag:s4] =	ssyncset.s32 $0xFFFFF086  }
0x25: {  	[simem:s6], [sflag:s4] =	dma.local [hbm:s3], $0xF7A  }
0x26: {  	[smem:$0x3F98] =	sst s1;
	(tag) =	ssettag s2;
	_ =	strace s9  }
0x27: {  	s1 =	sld [smem:$0x3FA8]  }
0x28: {  	s2 =	sld [smem:$0x3FA9]  }
0x29: {  	s4 =	sld [smem:$0x3FAB]  }
0x2a: {  	p0 =	seq.s32 s5, $0x0;
	s5 =	sld [smem:$0x3FAC]  }
0x2b: {  	s6 =	sld [smem:$0x3FAD]  }
0x2c: {  	s7 =	sld [smem:$0x3FAE]  }
0x2d: {  	s3 =	simm.s32 $0x108;
	s8 =	sld [smem:$0x3FAF]  }
0x2e: {  	s3 =	simm.s32 @!p0 $0x1082;
	s9 =	sld [smem:$0x3FB0]  }
0x2f: {  	lr =	sadd.s32 s0, s3;
	s0 =	sld [smem:$0x3FA7]  }
0x30: {  	s3 =	sld [smem:$0x3FAA]  }
0x31: {  	[smem:$0x3FB3] =	sst s10  }
0x32: {  	s10 =	sld [smem:$0x3FB1];
	_ =	sdelay $0x3  }
0x33: {  	p0 =	seq.s32 s10, $0x1;
	s10 =	sld [smem:$0x3FB3];
	_ =	sdelay $0x3  }
0x34: {  	[smem:$0x3FB3] =	sst s10  }
0x35: {  	s10 =	sld [smem:$0x3FB2];
	_ =	sdelay $0x3  }
0x36: {  	p1 =	seq.s32 s10, $0x1;
	s10 =	sld [smem:$0x3FB3];
	_ =	sdelay $0x3  }
0x37: {  	[smem:$0x3FB3] =	sst s10  }
0x38: {  	s10 =	sld [smem:$0x3FB4]  }
0x39: {  	_ = 	snop;
	(pc) =	sbr.ind lr, $3  }
0x3a: {  	_ = 	snop  }
0x3b: {  	_ = 	snop  }
0x3c: {  	p2 =	seq.s32 s10, $0x1;
	s10 =	sld [smem:$0x3FB3]  }
0x3d: {  	_ =	shalt  }
0x3e: {  	_ =	shalt  }
0x3f: {  	_ =	shalt  }
0x40: {  	_ =	shalt  }
0x41: {  	_ =	shalt  }
0x42: {  	_ =	shalt  }
0x43: {  	_ =	shalt  }
0x44: {  	_ =	shalt  }
0x45: {  	_ =	shalt  }
0x46: {  	_ =	shalt  }
0x47: {  	_ =	shalt  }
0x48: {  	_ =	shalt  }
0x49: {  	_ =	shalt  }
0x4a: {  	_ =	shalt  }
0x4b: {  	_ =	shalt  }
0x4c: {  	_ =	shalt  }
0x4d: {  	_ =	shalt  }
0x4e: {  	_ =	shalt  }
0x4f: {  	_ =	shalt  }
0x50: {  	_ =	shalt  }
0x51: {  	_ =	shalt  }
0x52: {  	_ =	shalt  }
0x53: {  	_ =	shalt  }
0x54: {  	_ =	shalt  }
0x55: {  	_ =	shalt  }
0x56: {  	_ =	shalt  }
0x57: {  	_ =	shalt  }
0x58: {  	_ =	shalt  }
0x59: {  	_ =	shalt  }
0x5a: {  	_ =	shalt  }
0x5b: {  	_ =	shalt  }
0x5c: {  	_ =	shalt  }
0x5d: {  	_ =	shalt  }
0x5e: {  	_ =	shalt  }
0x5f: {  	_ =	shalt  }
0x60: {  	_ =	shalt  }
0x61: {  	_ =	shalt  }
0x62: {  	_ =	shalt  }
0x63: {  	_ =	shalt  }
0x64: {  	_ =	shalt  }
0x65: {  	_ =	shalt  }
0x66: {  	_ =	shalt  }
0x67: {  	_ =	shalt  }
0x68: {  	_ =	shalt  }
0x69: {  	_ =	shalt  }
0x6a: {  	_ =	shalt  }
0x6b: {  	_ =	shalt  }
0x6c: {  	_ =	shalt  }
0x6d: {  	_ =	shalt  }
0x6e: {  	_ =	shalt  }
0x6f: {  	_ =	shalt  }
0x70: {  	_ =	shalt  }
0x71: {  	_ =	shalt  }
0x72: {  	_ =	shalt  }
0x73: {  	_ =	shalt  }
0x74: {  	_ =	shalt  }
0x75: {  	_ =	shalt  }
0x76: {  	_ =	shalt  }
0x77: {  	_ =	shalt  }
0x78: {  	_ =	shalt  }
0x79: {  	_ =	shalt  }
0x7a: {  	_ =	shalt  }
0x7b: {  	_ =	shalt  }
0x7c: {  	_ =	shalt  }
0x7d: {  	_ =	shalt  }
0x7e: {  	_ =	shalt  }
0x7f: {  	_ =	shalt  }
0x80: {  	_ =	shalt  }
0x81: {  	_ =	shalt  }
0x82: {  	_ =	shalt  }
0x83: {  	_ =	shalt  }
0x84: {  	_ =	shalt  }
0x85: {  	_ =	shalt  }
0x86: {  	_ =	shalt  }
0x87: {  	_ =	shalt  }
.Lfunc_end0:
.L_simem_size_0:
called_computation_lowered:
.L_overlay_start_0:
0x88: {  	s2 =	sld [smem:$0x3FD9]  }
0x89: {  	s3 =	sld [smem:$0x3FFE];
	_ =	sdelay $0x1  }
0x8a: {  	s1 =	srdreg.scid  }
0x8b: {  	s0 =	sand.u32 $0x1, s1  }
0x8c: {  	s17 =	sshll.u32 s0, $0xA;
	s2 =	sadd.s32 s3, s2  }
0x8d: {  	s2 =	sadd.s32 s2, s17  }
0x8e: {  	[smem:$0x3FBF] =	sst s2  }
0x8f: {  	_ = 	snop  }
0x90: {  	s2 =	sld [smem:$0x3FD0];
	(tm) =	ssettm $0x1  }
0x91: {  	s18 =	sld [smem:$0x3FFB];
	_ =	sdelay $0x3  }
0x92: {  	_ =	strace s18  }
0x93: {  	s3 =	sld [smem:$0x3FFC];
	_ =	sdelay $0x3  }
0x94: {  	_ =	strace s3  }
0x95: {  	s3 =	sld [smem:$0x3FFD];
	_ =	sdelay $0x3  }
0x96: {  	_ =	strace s3  }
0x97: {  	_ =	strace $0x8FFFFFFF  }
0x98: {  	s19 =	sld [smem:$0x3FDB];
	_ =	sdelay $0x1  }
0x99: {  	s4 =	simm.s32 $_scs_section_size  }
0x9a: {  	s5 =	simm.s32 $_size__tile_overlayer_lowered;
	s6 =	simm.s32 $_tile_overlayer_lowered  }
0x9b: {  	s22 =	simm.s32 $0x1BFF;
	s21 =	sshll.u32 s6, $0x1;
	s3 =	sadd.s32 s4, s19  }
0x9c: {  	s7 =	simm.s32 $0x0;
	s20 =	sshll.u32 s5, $0x1;
	s5 =	sadd.s32 s21, s3  }
0x9d: {  	[timem:s7], [sflag:s22] =	dma.local [hbm:s5], s20  }
0x9e: {  	_ =	swait.ge [sflag:s22], s20  }
0x9f: {  	s4 =	ssub.s32 $0x0, s20;
	[sflag:s22] =	ssyncset.done $0x0  }
0xa0: {  	[sflag:s22] =	ssyncadd.s32 s4;
	_ =	sdelay $0x1  }
0xa1: {  	s23 =	simm.s32 $0x1B8B  }
0xa2: {  	_ =	swait.ge [sflag:s23], $0x1  }
0xa3: {  	[sflag:s23] =	ssyncset.done $0x0  }
0xa4: {  	s25 =	simm.s32 $0x1B8E;
	s24 =	sld [smem:$0x3FFE];
	[sflag:s23] =	ssyncadd.s32 $0xFFFFFFFF  }
0xa5: {  	s26 =	simm.s32 $execute0_lowered;
	[smem:$0x3FD2] =	sst s25  }
0xa6: {  	s5 =	sshll.u32 s26, $0x1;
	_ =	strace $0x80000046;
	[dreg:$0x1] =	wrdreg $0xFFFFFFFF  }
0xa7: {  	s28 =	simm.s32 $_size_execute0_lowered;
	s3 =	sadd.s32 s3, s5;
	[dreg:$0x0] =	wrdreg $0x0  }
0xa8: {  	s5 =	sshll.u32 s28, $0x1;
	[dreg:$0x2] =	wrdreg s3  }
0xa9: {  	[dreg:$0x3] =	wrdreg s5  }
0xaa: {  	[dreg:$0x4] =	wrdreg $0xC0  }
0xab: {  	_ =	task [dreg:s7], $0x5FFFF  }
0xac: {  	[dreg:$0x1] =	wrdreg $0xFFFFFFFF  }
0xad: {  	[dreg:$0x0] =	wrdreg $0x60  }
0xae: {  	[dreg:$0x2] =	wrdreg s24  }
0xaf: {  	[dreg:$0x3] =	wrdreg s2  }
0xb0: {  	[dreg:$0x4] =	wrdreg $0x9  }
0xb1: {  	_ =	task.clear_ibuf [dreg:s7], $0x5FFFF;
	_ =	strace $0x90000046  }
0xb2: {  	s29 =	simm.s32 $0x9;
	_ =	strace $0x80000048  }
0xb3: {  	_ =	swait.ge [sflag:s29], $0x1  }
0xb4: {  	[sflag:s29] =	ssyncadd.s32 $0xFFFFFFFF  }
0xb5: {  	_ =	strace $0x90000048  }
0xb6: {  	_ =	sfence  }
0xb7: {  	s30 =	sld [smem:$0x0];
	_ =	sdelay $0x2  }
0xb8: {  	s31 =	sshll.u32 s1, $0xD;
	s1 =	sshrl.u32 s1, $0x2  }
0xb9: {  	s3 =	sand.u32 $0x4000, s31;
	s1 =	sadd.s32 s1, s30  }
0xba: {  	s0 =	sor.u32 s3, s0;
	s1 =	sshll.u32 s1, $0x11  }
0xbb: {  	s0 =	sor.u32 s1, s0  }
0xbc: {  	s0 =	sadd.s32 $0x8F2B, s0  }
0xbd: {  	[sflag:s0] =	ssyncadd.remote.s32 $0x1  }
0xbe: {  	_ =	sfence.sel $0xFFFF  }
0xbf: {  	[dreg:$0x0] =	wrdreg $0xFFFFFFFF;
	(pc) =	sbr.abs _section_cstart, $3  }
0xc0: {  	[dreg:$0x1] =	wrdreg $0xFFFFFFFF  }
0xc1: {  	_ =	task.clear_ibuf [dreg:s7], $0x2FFFF;
	_ =	strace $0x9FFFFFFF  }
0xc2: {  	(tm) =	ssettm $0x7FFFFFFF  }
0xc3: {  	_ =	shalt  }
tec
execute0_lowered:
.L_overlay_start_1:
0x0: {  	(tag) =	ssettag $0x1  }
0x1: {  	s0 =	srdreg.scid;
	s1 =	stileid.u32  }
0x2: {  	s0 =	sand.u32 $0x1, s0;
	s1 =	sshll.u32 s1, $0x1  }
0x3: {  	s31 =	sor.u32 s0, s1  }
0x4: {  	s29 =	rddreg [dreg:$0x0];
	s2 =	simm.s32 $0x0;
	s26 =	smul.u32 $0x2800, s31  }
0x5: {  	[smem:$0x7FF] =	sst s2;
	s25 =	sadd.s32 $0x4400, s29  }
0x6: {  	s23 =	sadd.s32 $0x40EC00, s29;
	_ =	strace $0x80000047;
	s3 =	sshrl.u32 s26, $0x3  }
0x7: {  	[dreg:$0x3] =	wrdreg s23;
	s12 =	sor.u32 $0x400, s26;
	s3 =	sadd.s32 s25, s3  }
0x8: {  	s4 =	sshrl.u32 s12, $0x3;
	[dreg:$0x4] =	wrdreg s3  }
0x9: {  	s24 =	sadd.s32 s25, s4;
	s5 =	rddreg [dreg:$0x4]  }
0xa: {  	s3 =	simm.s32 $0x3;
	[dreg:$0x5] =	wrdreg s24  }
0xb: {  	[tilespmem:s2], [sflag:$0x3] =	stream.linear.gather [hbm4b:s5+s2], $0x400, $0x38;
	[tilespmem:$0x10800] =	vst v63  }
0xc: {  	_ =	swait.ge [sflag:s3], $0x400  }
0xd: {  	s6 =	simm.s32 $0x800;
	[sflag:s3] =	ssyncset.done $0x0  }
0xe: {  	s4 =	sadd.s32 $0xEC00, s29;
	s5 =	simm.s32 $0x400;
	[sflag:s3] =	ssyncadd.s32 $0xFFFFFC00  }
0xf: {  	[tilespmem:s6], [sflag:$0x1] =	stream.indirect.gather [hbm4b:s4+s5], $0x20, s2, s5, $0xb8;
	[tilespmem:$0x10800] =	vst v63  }
0x10: {  	s7 =	rddreg [dreg:$0x5]  }
0x11: {  	[tilespmem:s5], [sflag:$0x3] =	stream.linear.gather [hbm4b:s7+s2], $0x400, $0x38;
	[tilespmem:$0x10800] =	vst v63  }
0x12: {  	_ =	swait.ge [sflag:s3], $0x400  }
0x13: {  	[sflag:s3] =	ssyncset.done $0x0  }
0x14: {  	s8 =	simm.s32 $0x1;
	s7 =	simm.s32 $0x8800;
	[sflag:s3] =	ssyncadd.s32 $0xFFFFFC00  }
0x15: {  	[tilespmem:s7], [sflag:$0x2] =	stream.indirect.gather [hbm4b:s4+s5], $0x20, s5, s5, $0xb8;
	[tilespmem:$0x10800] =	vst v63  }
0x16: {  	s9 =	smul.u32 $0xA000, s31;
	_ =	swait.ge [sflag:s8], $0x8000  }
0x17: {  	s28 =	sadd.s32 $0x80EC00, s29;
	[sflag:s8] =	ssyncset.done $0x0  }
0x18: {  	s9 =	sadd.s32 s28, s9;
	[sflag:s8] =	ssyncadd.s32 $0xFFFF8000  }
0x19: {  	[hbm4b:s9+s2] =	stream.linear.scatter [tilespmem:s6], [sflag:$0x3], $0x8000, $0x38;
	[tilespmem:$0x10800] =	vst v63  }
0x1a: {  	s14 =	sadd.s32 $0x800, s26;
	_ =	swait.ge [sflag:s3], $0x8000  }
0x1b: {  	s10 =	sshrl.u32 s14, $0x3;
	[sflag:s3] =	ssyncset.done $0x0  }
0x1c: {  	s10 =	sadd.s32 s25, s10;
	[sflag:s3] =	ssyncadd.s32 $0xFFFF8000  }
0x1d: {  	[tilespmem:s2], [sflag:$0x3] =	stream.linear.gather [hbm4b:s10+s2], $0x400, $0x38;
	[tilespmem:$0x10800] =	vst v63  }
0x1e: {  	_ =	swait.ge [sflag:s3], $0x400  }
0x1f: {  	[sflag:s3] =	ssyncset.done $0x0  }
0x20: {  	s11 =	simm.s32 $0x2;
	[sflag:s3] =	ssyncadd.s32 $0xFFFFFC00  }
0x21: {  	[tilespmem:s6], [sflag:$0x1] =	stream.indirect.gather [hbm4b:s4+s5], $0x20, s2, s5, $0xb8;
	[tilespmem:$0x10800] =	vst v63  }
0x22: {  	_ =	swait.ge [sflag:s11], $0x8000  }
0x23: {  	s12 =	sshll.u32 s12, $0x2;
	[sflag:s11] =	ssyncset.done $0x0  }
0x24: {  	s12 =	sadd.s32 s28, s12;
	[sflag:s11] =	ssyncadd.s32 $0xFFFF8000  }
0x25: {  	[hbm4b:s12+s2] =	stream.linear.scatter [tilespmem:s7], [sflag:$0x3], $0x8000, $0x38;
	[tilespmem:$0x10800] =	vst v63  }
0x26: {  	s16 =	sadd.s32 $0xC00, s26;
	_ =	swait.ge [sflag:s3], $0x8000  }
0x27: {  	s13 =	sshrl.u32 s16, $0x3;
	[sflag:s3] =	ssyncset.done $0x0  }
0x28: {  	s13 =	sadd.s32 s25, s13;
	[sflag:s3] =	ssyncadd.s32 $0xFFFF8000  }
0x29: {  	[tilespmem:s5], [sflag:$0x3] =	stream.linear.gather [hbm4b:s13+s2], $0x400, $0x38;
	[tilespmem:$0x10800] =	vst v63  }
0x2a: {  	_ =	swait.ge [sflag:s3], $0x400  }
0x2b: {  	[sflag:s3] =	ssyncset.done $0x0  }
0x2c: {  	[sflag:s3] =	ssyncadd.s32 $0xFFFFFC00  }
0x2d: {  	[tilespmem:s7], [sflag:$0x2] =	stream.indirect.gather [hbm4b:s4+s5], $0x20, s5, s5, $0xb8;
	[tilespmem:$0x10800] =	vst v63  }
0x2e: {  	_ =	swait.ge [sflag:s8], $0x8000  }
0x2f: {  	s14 =	sshll.u32 s14, $0x2;
	[sflag:s8] =	ssyncset.done $0x0  }
0x30: {  	s14 =	sadd.s32 s28, s14;
	[sflag:s8] =	ssyncadd.s32 $0xFFFF8000  }
0x31: {  	[hbm4b:s14+s2] =	stream.linear.scatter [tilespmem:s6], [sflag:$0x3], $0x8000, $0x38;
	[tilespmem:$0x10800] =	vst v63  }
0x32: {  	s18 =	sadd.s32 $0x1000, s26;
	_ =	swait.ge [sflag:s3], $0x8000  }
0x33: {  	s15 =	sshrl.u32 s18, $0x3;
	[sflag:s3] =	ssyncset.done $0x0  }
0x34: {  	s15 =	sadd.s32 s25, s15;
	[sflag:s3] =	ssyncadd.s32 $0xFFFF8000  }
0x35: {  	[tilespmem:s2], [sflag:$0x3] =	stream.linear.gather [hbm4b:s15+s2], $0x400, $0x38;
	[tilespmem:$0x10800] =	vst v63  }
0x36: {  	_ =	swait.ge [sflag:s3], $0x400  }
0x37: {  	[sflag:s3] =	ssyncset.done $0x0  }
0x38: {  	[sflag:s3] =	ssyncadd.s32 $0xFFFFFC00  }
0x39: {  	[tilespmem:s6], [sflag:$0x1] =	stream.indirect.gather [hbm4b:s4+s5], $0x20, s2, s5, $0xb8;
	[tilespmem:$0x10800] =	vst v63  }
0x3a: {  	_ =	swait.ge [sflag:s11], $0x8000  }
0x3b: {  	s16 =	sshll.u32 s16, $0x2;
	[sflag:s11] =	ssyncset.done $0x0  }
0x3c: {  	s16 =	sadd.s32 s28, s16;
	[sflag:s11] =	ssyncadd.s32 $0xFFFF8000  }
0x3d: {  	[hbm4b:s16+s2] =	stream.linear.scatter [tilespmem:s7], [sflag:$0x3], $0x8000, $0x38;
	[tilespmem:$0x10800] =	vst v63  }
0x3e: {  	s20 =	sadd.s32 $0x1400, s26;
	_ =	swait.ge [sflag:s3], $0x8000  }
0x3f: {  	s17 =	sshrl.u32 s20, $0x3;
	[sflag:s3] =	ssyncset.done $0x0  }
0x40: {  	s17 =	sadd.s32 s25, s17;
	[sflag:s3] =	ssyncadd.s32 $0xFFFF8000  }
0x41: {  	[tilespmem:s5], [sflag:$0x3] =	stream.linear.gather [hbm4b:s17+s2], $0x400, $0x38;
	[tilespmem:$0x10800] =	vst v63  }
0x42: {  	_ =	swait.ge [sflag:s3], $0x400  }
0x43: {  	[sflag:s3] =	ssyncset.done $0x0  }
0x44: {  	[sflag:s3] =	ssyncadd.s32 $0xFFFFFC00  }
0x45: {  	[tilespmem:s7], [sflag:$0x2] =	stream.indirect.gather [hbm4b:s4+s5], $0x20, s5, s5, $0xb8;
	[tilespmem:$0x10800] =	vst v63  }
0x46: {  	_ =	swait.ge [sflag:s8], $0x8000  }
0x47: {  	s18 =	sshll.u32 s18, $0x2;
	[sflag:s8] =	ssyncset.done $0x0  }
0x48: {  	s18 =	sadd.s32 s28, s18;
	[sflag:s8] =	ssyncadd.s32 $0xFFFF8000  }
0x49: {  	[hbm4b:s18+s2] =	stream.linear.scatter [tilespmem:s6], [sflag:$0x3], $0x8000, $0x38;
	[tilespmem:$0x10800] =	vst v63  }
0x4a: {  	s22 =	sadd.s32 $0x1800, s26;
	_ =	swait.ge [sflag:s3], $0x8000  }
0x4b: {  	s19 =	sshrl.u32 s22, $0x3;
	[sflag:s3] =	ssyncset.done $0x0  }
0x4c: {  	s19 =	sadd.s32 s25, s19;
	[sflag:s3] =	ssyncadd.s32 $0xFFFF8000  }
0x4d: {  	[tilespmem:s2], [sflag:$0x3] =	stream.linear.gather [hbm4b:s19+s2], $0x400, $0x38;
	[tilespmem:$0x10800] =	vst v63  }
0x4e: {  	_ =	swait.ge [sflag:s3], $0x400  }
0x4f: {  	[sflag:s3] =	ssyncset.done $0x0  }
0x50: {  	[sflag:s3] =	ssyncadd.s32 $0xFFFFFC00  }
0x51: {  	[tilespmem:s6], [sflag:$0x1] =	stream.indirect.gather [hbm4b:s4+s5], $0x20, s2, s5, $0xb8;
	[tilespmem:$0x10800] =	vst v63  }
0x52: {  	_ =	swait.ge [sflag:s11], $0x8000  }
0x53: {  	s20 =	sshll.u32 s20, $0x2;
	[sflag:s11] =	ssyncset.done $0x0  }
0x54: {  	s20 =	sadd.s32 s28, s20;
	[sflag:s11] =	ssyncadd.s32 $0xFFFF8000  }
0x55: {  	[hbm4b:s20+s2] =	stream.linear.scatter [tilespmem:s7], [sflag:$0x3], $0x8000, $0x38;
	[tilespmem:$0x10800] =	vst v63  }
0x56: {  	s24 =	sadd.s32 $0x1C00, s26;
	_ =	swait.ge [sflag:s3], $0x8000  }
0x57: {  	s21 =	sshrl.u32 s24, $0x3;
	[sflag:s3] =	ssyncset.done $0x0  }
0x58: {  	s21 =	sadd.s32 s25, s21;
	[sflag:s3] =	ssyncadd.s32 $0xFFFF8000  }
0x59: {  	[tilespmem:s5], [sflag:$0x3] =	stream.linear.gather [hbm4b:s21+s2], $0x400, $0x38;
	[tilespmem:$0x10800] =	vst v63  }
0x5a: {  	_ =	swait.ge [sflag:s3], $0x400  }
0x5b: {  	[sflag:s3] =	ssyncset.done $0x0  }
0x5c: {  	[sflag:s3] =	ssyncadd.s32 $0xFFFFFC00  }
0x5d: {  	[tilespmem:s7], [sflag:$0x2] =	stream.indirect.gather [hbm4b:s4+s5], $0x20, s5, s5, $0xb8;
	[tilespmem:$0x10800] =	vst v63  }
0x5e: {  	_ =	swait.ge [sflag:s8], $0x8000  }
0x5f: {  	s22 =	sshll.u32 s22, $0x2;
	[sflag:s8] =	ssyncset.done $0x0  }
0x60: {  	s22 =	sadd.s32 s28, s22;
	[sflag:s8] =	ssyncadd.s32 $0xFFFF8000  }
0x61: {  	[hbm4b:s22+s2] =	stream.linear.scatter [tilespmem:s6], [sflag:$0x3], $0x8000, $0x38;
	[tilespmem:$0x10800] =	vst v63  }
0x62: {  	s30 =	sadd.s32 $0x2000, s26;
	_ =	swait.ge [sflag:s3], $0x8000  }
0x63: {  	s23 =	sshrl.u32 s30, $0x3;
	[sflag:s3] =	ssyncset.done $0x0  }
0x64: {  	s23 =	sadd.s32 s25, s23;
	[sflag:s3] =	ssyncadd.s32 $0xFFFF8000  }
0x65: {  	[tilespmem:s2], [sflag:$0x3] =	stream.linear.gather [hbm4b:s23+s2], $0x400, $0x38;
	[tilespmem:$0x10800] =	vst v63  }
0x66: {  	_ =	swait.ge [sflag:s3], $0x400  }
0x67: {  	[sflag:s3] =	ssyncset.done $0x0  }
0x68: {  	[sflag:s3] =	ssyncadd.s32 $0xFFFFFC00  }
0x69: {  	[tilespmem:s6], [sflag:$0x1] =	stream.indirect.gather [hbm4b:s4+s5], $0x20, s2, s5, $0xb8;
	[tilespmem:$0x10800] =	vst v63  }
0x6a: {  	_ =	swait.ge [sflag:s11], $0x8000  }
0x6b: {  	s24 =	sshll.u32 s24, $0x2;
	[sflag:s11] =	ssyncset.done $0x0  }
0x6c: {  	s24 =	sadd.s32 s28, s24;
	[sflag:s11] =	ssyncadd.s32 $0xFFFF8000  }
0x6d: {  	[hbm4b:s24+s2] =	stream.linear.scatter [tilespmem:s7], [sflag:$0x3], $0x8000, $0x38;
	[tilespmem:$0x10800] =	vst v63  }
0x6e: {  	s1 =	smov.u32 s0;
	s0 =	sadd.s32 $0x2400, s26;
	_ =	swait.ge [sflag:s3], $0x8000  }
0x6f: {  	s26 =	sshrl.u32 s0, $0x3;
	[sflag:s3] =	ssyncset.done $0x0  }
0x70: {  	s25 =	sadd.s32 s25, s26;
	[sflag:s3] =	ssyncadd.s32 $0xFFFF8000  }
0x71: {  	[tilespmem:s5], [sflag:$0x3] =	stream.linear.gather [hbm4b:s25+s2], $0x400, $0x38;
	[tilespmem:$0x10800] =	vst v63  }
0x72: {  	_ =	swait.ge [sflag:s3], $0x400  }
0x73: {  	[sflag:s3] =	ssyncset.done $0x0  }
0x74: {  	[sflag:s3] =	ssyncadd.s32 $0xFFFFFC00  }
0x75: {  	[tilespmem:s7], [sflag:$0x2] =	stream.indirect.gather [hbm4b:s4+s5], $0x20, s5, s5, $0xb8;
	[tilespmem:$0x10800] =	vst v63  }
0x76: {  	_ =	swait.ge [sflag:s8], $0x8000  }
0x77: {  	s26 =	sshll.u32 s30, $0x2;
	[sflag:s8] =	ssyncset.done $0x0  }
0x78: {  	s26 =	sadd.s32 s28, s26;
	[sflag:s8] =	ssyncadd.s32 $0xFFFF8000  }
0x79: {  	[hbm4b:s26+s2] =	stream.linear.scatter [tilespmem:s6], [sflag:$0x3], $0x8000, $0x38;
	[tilespmem:$0x10800] =	vst v63  }
0x7a: {  	_ =	swait.ge [sflag:s3], $0x8000  }
0x7b: {  	[sflag:s3] =	ssyncset.done $0x0  }
0x7c: {  	[sflag:s3] =	ssyncadd.s32 $0xFFFF8000  }
0x7d: {  	_ =	swait.ge [sflag:s11], $0x8000  }
0x7e: {  	s0 =	sshll.u32 s0, $0x2;
	[sflag:s11] =	ssyncset.done $0x0  }
0x7f: {  	s28 =	sadd.s32 s28, s0;
	[sflag:s11] =	ssyncadd.s32 $0xFFFF8000  }
0x80: {  	[hbm4b:s28+s2] =	stream.linear.scatter [tilespmem:s7], [sflag:$0x3], $0x8000, $0x38;
	[tilespmem:$0x10800] =	vst v63  }
0x81: {  	s0 =	sshll.u32 s31, $0x6;
	_ =	swait.ge [sflag:s3], $0x8000  }
0x82: {  	s0 =	sadd.s32 s0, s29;
	[sflag:s3] =	ssyncset.done $0x0  }
0x83: {  	s29 =	sadd.s32 $0xE400, s0;
	[sflag:s3] =	ssyncadd.s32 $0xFFFF8000  }
0x84: {  	[tilespmem:s2], [sflag:$0x3] =	stream.linear.gather [hbm4b:s29+s2], $0x200, $0x38;
	[tilespmem:$0x10800] =	vst v63  }
0x85: {  	_ =	swait.ge [sflag:s3], $0x200  }
0x86: {  	[sflag:s3] =	ssyncset.done $0x0  }
0x87: {  	s30 =	simm.s32 $0x200;
	s0 =	rddreg [dreg:$0x3];
	[sflag:s3] =	ssyncadd.s32 $0xFFFFFE00  }
0x88: {  	[tilespmem:s6], [sflag:$0x1] =	stream.indirect.gather [hbm4b:s0+s30], $0x20, s2, s30, $0xb8;
	[tilespmem:$0x10800] =	vst v63  }
0x89: {  	s0 =	ssub.s32 $0x2, s1  }
0x8a: {  	s1 =	sshrl.u32 s0, $0x1  }
0x8b: {  	s0 =	ssub.s32 s0, s1  }
0x8c: {  	s0 =	smax.u32 s0, $0x1  }
0x8d: {  	_ =	swait.ge [sflag:s8], $0x4000;
	p0 =	sne.s32 s0, $0x1  }
.Ltmp0:
0x8e: {  	[sflag:s8] =	ssyncset.done $0x0;
	(pc) =	sbr.rel @!p0 .LBB2_2-.Ltmp0, $4  }
0x8f: {  	s1 =	sshll.u32 s31, $0xB;
	s31 =	rddreg [dreg:$0x1]  }
0x90: {  	[sflag:s8] =	ssyncadd.s32 $0xFFFFC000;
	s31 =	sadd.s32 s31, s1  }
0x91: {  	[hbm4b:s31+s2] =	stream.linear.scatter [tilespmem:s6], [sflag:$0x3], $0x4000, $0x38;
	[tilespmem:$0x10800] =	vst v63  }
0x92: {  	s1 =	sadd.s32 $0xFFFFFFFF, s0;
	_ =	swait.ge [sflag:s3], $0x4000  }
.LBB2_1:
0x93: {  	[sflag:s3] =	ssyncset.done $0x0  }
0x94: {  	s0 =	rddreg [dreg:$0x4];
	[sflag:s3] =	ssyncadd.s32 $0xFFFFC000  }
0x95: {  	[tilespmem:s2], [sflag:$0x3] =	stream.linear.gather [hbm4b:s0+s2], $0x400, $0x38;
	[tilespmem:$0x10800] =	vst v63  }
0x96: {  	_ =	swait.ge [sflag:s3], $0x400  }
0x97: {  	[sflag:s3] =	ssyncset.done $0x0  }
0x98: {  	[sflag:s3] =	ssyncadd.s32 $0xFFFFFC00  }
0x99: {  	[tilespmem:s6], [sflag:$0x1] =	stream.indirect.gather [hbm4b:s4+s5], $0x20, s2, s5, $0xb8;
	[tilespmem:$0x10800] =	vst v63  }
0x9a: {  	s0 =	rddreg [dreg:$0x5]  }
0x9b: {  	[tilespmem:s5], [sflag:$0x3] =	stream.linear.gather [hbm4b:s0+s2], $0x400, $0x38;
	[tilespmem:$0x10800] =	vst v63  }
0x9c: {  	_ =	swait.ge [sflag:s3], $0x400  }
0x9d: {  	[sflag:s3] =	ssyncset.done $0x0  }
0x9e: {  	[sflag:s3] =	ssyncadd.s32 $0xFFFFFC00  }
0x9f: {  	[tilespmem:s7], [sflag:$0x2] =	stream.indirect.gather [hbm4b:s4+s5], $0x20, s5, s5, $0xb8;
	[tilespmem:$0x10800] =	vst v63  }
0xa0: {  	_ =	swait.ge [sflag:s8], $0x8000  }
0xa1: {  	[sflag:s8] =	ssyncset.done $0x0  }
0xa2: {  	[sflag:s8] =	ssyncadd.s32 $0xFFFF8000  }
0xa3: {  	[hbm4b:s9+s2] =	stream.linear.scatter [tilespmem:s6], [sflag:$0x3], $0x8000, $0x38;
	[tilespmem:$0x10800] =	vst v63  }
0xa4: {  	_ =	swait.ge [sflag:s3], $0x8000  }
0xa5: {  	[sflag:s3] =	ssyncset.done $0x0  }
0xa6: {  	[sflag:s3] =	ssyncadd.s32 $0xFFFF8000  }
0xa7: {  	[tilespmem:s2], [sflag:$0x3] =	stream.linear.gather [hbm4b:s10+s2], $0x400, $0x38;
	[tilespmem:$0x10800] =	vst v63  }
0xa8: {  	_ =	swait.ge [sflag:s3], $0x400  }
0xa9: {  	[sflag:s3] =	ssyncset.done $0x0  }
0xaa: {  	[sflag:s3] =	ssyncadd.s32 $0xFFFFFC00  }
0xab: {  	[tilespmem:s6], [sflag:$0x1] =	stream.indirect.gather [hbm4b:s4+s5], $0x20, s2, s5, $0xb8;
	[tilespmem:$0x10800] =	vst v63  }
0xac: {  	_ =	swait.ge [sflag:s11], $0x8000  }
0xad: {  	[sflag:s11] =	ssyncset.done $0x0  }
0xae: {  	[sflag:s11] =	ssyncadd.s32 $0xFFFF8000  }
0xaf: {  	[hbm4b:s12+s2] =	stream.linear.scatter [tilespmem:s7], [sflag:$0x3], $0x8000, $0x38;
	[tilespmem:$0x10800] =	vst v63  }
0xb0: {  	_ =	swait.ge [sflag:s3], $0x8000  }
0xb1: {  	[sflag:s3] =	ssyncset.done $0x0  }
0xb2: {  	[sflag:s3] =	ssyncadd.s32 $0xFFFF8000  }
0xb3: {  	[tilespmem:s5], [sflag:$0x3] =	stream.linear.gather [hbm4b:s13+s2], $0x400, $0x38;
	[tilespmem:$0x10800] =	vst v63  }
0xb4: {  	_ =	swait.ge [sflag:s3], $0x400  }
0xb5: {  	[sflag:s3] =	ssyncset.done $0x0  }
0xb6: {  	[sflag:s3] =	ssyncadd.s32 $0xFFFFFC00  }
0xb7: {  	[tilespmem:s7], [sflag:$0x2] =	stream.indirect.gather [hbm4b:s4+s5], $0x20, s5, s5, $0xb8;
	[tilespmem:$0x10800] =	vst v63  }
0xb8: {  	_ =	swait.ge [sflag:s8], $0x8000  }
0xb9: {  	[sflag:s8] =	ssyncset.done $0x0  }
0xba: {  	[sflag:s8] =	ssyncadd.s32 $0xFFFF8000  }
0xbb: {  	[hbm4b:s14+s2] =	stream.linear.scatter [tilespmem:s6], [sflag:$0x3], $0x8000, $0x38;
	[tilespmem:$0x10800] =	vst v63  }
0xbc: {  	_ =	swait.ge [sflag:s3], $0x8000  }
0xbd: {  	[sflag:s3] =	ssyncset.done $0x0  }
0xbe: {  	[sflag:s3] =	ssyncadd.s32 $0xFFFF8000  }
0xbf: {  	[tilespmem:s2], [sflag:$0x3] =	stream.linear.gather [hbm4b:s15+s2], $0x400, $0x38;
	[tilespmem:$0x10800] =	vst v63  }
0xc0: {  	_ =	swait.ge [sflag:s3], $0x400  }
0xc1: {  	[sflag:s3] =	ssyncset.done $0x0  }
0xc2: {  	[sflag:s3] =	ssyncadd.s32 $0xFFFFFC00  }
0xc3: {  	[tilespmem:s6], [sflag:$0x1] =	stream.indirect.gather [hbm4b:s4+s5], $0x20, s2, s5, $0xb8;
	[tilespmem:$0x10800] =	vst v63  }
0xc4: {  	_ =	swait.ge [sflag:s11], $0x8000  }
0xc5: {  	[sflag:s11] =	ssyncset.done $0x0  }
0xc6: {  	[sflag:s11] =	ssyncadd.s32 $0xFFFF8000  }
0xc7: {  	[hbm4b:s16+s2] =	stream.linear.scatter [tilespmem:s7], [sflag:$0x3], $0x8000, $0x38;
	[tilespmem:$0x10800] =	vst v63  }
0xc8: {  	_ =	swait.ge [sflag:s3], $0x8000  }
0xc9: {  	[sflag:s3] =	ssyncset.done $0x0  }
0xca: {  	[sflag:s3] =	ssyncadd.s32 $0xFFFF8000  }
0xcb: {  	[tilespmem:s5], [sflag:$0x3] =	stream.linear.gather [hbm4b:s17+s2], $0x400, $0x38;
	[tilespmem:$0x10800] =	vst v63  }
0xcc: {  	_ =	swait.ge [sflag:s3], $0x400  }
0xcd: {  	[sflag:s3] =	ssyncset.done $0x0  }
0xce: {  	[sflag:s3] =	ssyncadd.s32 $0xFFFFFC00  }
0xcf: {  	[tilespmem:s7], [sflag:$0x2] =	stream.indirect.gather [hbm4b:s4+s5], $0x20, s5, s5, $0xb8;
	[tilespmem:$0x10800] =	vst v63  }
0xd0: {  	_ =	swait.ge [sflag:s8], $0x8000  }
0xd1: {  	[sflag:s8] =	ssyncset.done $0x0  }
0xd2: {  	[sflag:s8] =	ssyncadd.s32 $0xFFFF8000  }
0xd3: {  	[hbm4b:s18+s2] =	stream.linear.scatter [tilespmem:s6], [sflag:$0x3], $0x8000, $0x38;
	[tilespmem:$0x10800] =	vst v63  }
0xd4: {  	_ =	swait.ge [sflag:s3], $0x8000  }
0xd5: {  	[sflag:s3] =	ssyncset.done $0x0  }
0xd6: {  	[sflag:s3] =	ssyncadd.s32 $0xFFFF8000  }
0xd7: {  	[tilespmem:s2], [sflag:$0x3] =	stream.linear.gather [hbm4b:s19+s2], $0x400, $0x38;
	[tilespmem:$0x10800] =	vst v63  }
0xd8: {  	_ =	swait.ge [sflag:s3], $0x400  }
0xd9: {  	[sflag:s3] =	ssyncset.done $0x0  }
0xda: {  	[sflag:s3] =	ssyncadd.s32 $0xFFFFFC00  }
0xdb: {  	[tilespmem:s6], [sflag:$0x1] =	stream.indirect.gather [hbm4b:s4+s5], $0x20, s2, s5, $0xb8;
	[tilespmem:$0x10800] =	vst v63  }
0xdc: {  	_ =	swait.ge [sflag:s11], $0x8000  }
0xdd: {  	[sflag:s11] =	ssyncset.done $0x0  }
0xde: {  	[sflag:s11] =	ssyncadd.s32 $0xFFFF8000  }
0xdf: {  	[hbm4b:s20+s2] =	stream.linear.scatter [tilespmem:s7], [sflag:$0x3], $0x8000, $0x38;
	[tilespmem:$0x10800] =	vst v63  }
0xe0: {  	_ =	swait.ge [sflag:s3], $0x8000  }
0xe1: {  	[sflag:s3] =	ssyncset.done $0x0  }
0xe2: {  	[sflag:s3] =	ssyncadd.s32 $0xFFFF8000  }
0xe3: {  	[tilespmem:s5], [sflag:$0x3] =	stream.linear.gather [hbm4b:s21+s2], $0x400, $0x38;
	[tilespmem:$0x10800] =	vst v63  }
0xe4: {  	_ =	swait.ge [sflag:s3], $0x400  }
0xe5: {  	[sflag:s3] =	ssyncset.done $0x0  }
0xe6: {  	[sflag:s3] =	ssyncadd.s32 $0xFFFFFC00  }
0xe7: {  	[tilespmem:s7], [sflag:$0x2] =	stream.indirect.gather [hbm4b:s4+s5], $0x20, s5, s5, $0xb8;
	[tilespmem:$0x10800] =	vst v63  }
0xe8: {  	_ =	swait.ge [sflag:s8], $0x8000  }
0xe9: {  	[sflag:s8] =	ssyncset.done $0x0  }
0xea: {  	[sflag:s8] =	ssyncadd.s32 $0xFFFF8000  }
0xeb: {  	[hbm4b:s22+s2] =	stream.linear.scatter [tilespmem:s6], [sflag:$0x3], $0x8000, $0x38;
	[tilespmem:$0x10800] =	vst v63  }
0xec: {  	_ =	swait.ge [sflag:s3], $0x8000  }
0xed: {  	[sflag:s3] =	ssyncset.done $0x0  }
0xee: {  	[sflag:s3] =	ssyncadd.s32 $0xFFFF8000  }
0xef: {  	[tilespmem:s2], [sflag:$0x3] =	stream.linear.gather [hbm4b:s23+s2], $0x400, $0x38;
	[tilespmem:$0x10800] =	vst v63  }
0xf0: {  	_ =	swait.ge [sflag:s3], $0x400  }
0xf1: {  	[sflag:s3] =	ssyncset.done $0x0  }
0xf2: {  	[sflag:s3] =	ssyncadd.s32 $0xFFFFFC00  }
0xf3: {  	[tilespmem:s6], [sflag:$0x1] =	stream.indirect.gather [hbm4b:s4+s5], $0x20, s2, s5, $0xb8;
	[tilespmem:$0x10800] =	vst v63  }
0xf4: {  	_ =	swait.ge [sflag:s11], $0x8000  }
0xf5: {  	[sflag:s11] =	ssyncset.done $0x0  }
0xf6: {  	[sflag:s11] =	ssyncadd.s32 $0xFFFF8000  }
0xf7: {  	[hbm4b:s24+s2] =	stream.linear.scatter [tilespmem:s7], [sflag:$0x3], $0x8000, $0x38;
	[tilespmem:$0x10800] =	vst v63  }
0xf8: {  	_ =	swait.ge [sflag:s3], $0x8000  }
0xf9: {  	[sflag:s3] =	ssyncset.done $0x0  }
0xfa: {  	[sflag:s3] =	ssyncadd.s32 $0xFFFF8000  }
0xfb: {  	[tilespmem:s5], [sflag:$0x3] =	stream.linear.gather [hbm4b:s25+s2], $0x400, $0x38;
	[tilespmem:$0x10800] =	vst v63  }
0xfc: {  	_ =	swait.ge [sflag:s3], $0x400  }
0xfd: {  	[sflag:s3] =	ssyncset.done $0x0  }
0xfe: {  	[sflag:s3] =	ssyncadd.s32 $0xFFFFFC00  }
0xff: {  	[tilespmem:s7], [sflag:$0x2] =	stream.indirect.gather [hbm4b:s4+s5], $0x20, s5, s5, $0xb8;
	[tilespmem:$0x10800] =	vst v63  }
0x100: {  	_ =	swait.ge [sflag:s8], $0x8000  }
0x101: {  	[sflag:s8] =	ssyncset.done $0x0  }
0x102: {  	[sflag:s8] =	ssyncadd.s32 $0xFFFF8000  }
0x103: {  	[hbm4b:s26+s2] =	stream.linear.scatter [tilespmem:s6], [sflag:$0x3], $0x8000, $0x38;
	[tilespmem:$0x10800] =	vst v63  }
0x104: {  	_ =	swait.ge [sflag:s3], $0x8000  }
0x105: {  	[sflag:s3] =	ssyncset.done $0x0  }
0x106: {  	[sflag:s3] =	ssyncadd.s32 $0xFFFF8000  }
0x107: {  	_ =	swait.ge [sflag:s11], $0x8000  }
0x108: {  	[sflag:s11] =	ssyncset.done $0x0  }
0x109: {  	[sflag:s11] =	ssyncadd.s32 $0xFFFF8000  }
0x10a: {  	[hbm4b:s28+s2] =	stream.linear.scatter [tilespmem:s7], [sflag:$0x3], $0x8000, $0x38;
	[tilespmem:$0x10800] =	vst v63  }
0x10b: {  	_ =	swait.ge [sflag:s3], $0x8000  }
0x10c: {  	[sflag:s3] =	ssyncset.done $0x0  }
0x10d: {  	[sflag:s3] =	ssyncadd.s32 $0xFFFF8000  }
0x10e: {  	[tilespmem:s2], [sflag:$0x3] =	stream.linear.gather [hbm4b:s29+s2], $0x200, $0x38;
	[tilespmem:$0x10800] =	vst v63  }
0x10f: {  	_ =	swait.ge [sflag:s3], $0x200  }
0x110: {  	[sflag:s3] =	ssyncset.done $0x0  }
0x111: {  	p0 =	sne.s32 s1, $0x1;
	s0 =	rddreg [dreg:$0x3];
	[sflag:s3] =	ssyncadd.s32 $0xFFFFFE00  }
0x112: {  	[tilespmem:s6], [sflag:$0x1] =	stream.indirect.gather [hbm4b:s0+s30], $0x20, s2, s30, $0xb8;
	[tilespmem:$0x10800] =	vst v63  }
.Ltmp1:
0x113: {  	_ =	swait.ge [sflag:s8], $0x4000;
	(pc) =	sbr.rel @p0 .LBB2_1-.Ltmp1, $4  }
0x114: {  	[sflag:s8] =	ssyncset.done $0x0  }
0x115: {  	[sflag:s8] =	ssyncadd.s32 $0xFFFFC000  }
0x116: {  	[hbm4b:s31+s2] =	stream.linear.scatter [tilespmem:s6], [sflag:$0x3], $0x4000, $0x38;
	[tilespmem:$0x10800] =	vst v63  }
0x117: {  	s1 =	sadd.s32 $0xFFFFFFFF, s1;
	_ =	swait.ge [sflag:s3], $0x4000  }
.LBB2_2:
0x118: {  	[sflag:s3] =	ssyncset.done $0x0  }
0x119: {  	[sflag:s3] =	ssyncadd.s32 $0xFFFFC000  }
0x11a: {  	_ =	sfence.sel $0x180000  }
0x11b: {  	[bflag:$0x0] =	sbarrier.arrive $0xFFFF  }
0x11c: {  	_ =	strace $0x90000047  }
0x11d: {  	s0 =	stileid.u32;
	[bflag:$0x2] =	sbarrier.arrive $0xFFFF  }
0x11e: {  	p0 =	sne.s32 s0, $0x0;
	s0 =	rddreg [dreg:$0x2]  }
0x11f: {  	s0 =	sadd.s32 @!p0 $0x100000, s0  }
0x120: {  	[sflag:s0] =	ssyncadd.tile.s32 @!p0 $0x1;
	_ =	shalt  }
.Lfunc_end2:
_tile_overlayer_lowered:
.L_overlay_start_2:
0x121: {  	(tag) =	ssettag $0x2  }
0x122: {  	s0 =	rddreg [dreg:$0x0];
	s2 =	stileid.u32  }
0x123: {  	s1 =	rddreg [dreg:$0x1];
	p0 =	sne.s32 s2, $0x0  }
0x124: {  	s3 =	rddreg [dreg:$0x2];
	[bflag:$0x3] =	sbarrier.arrive $0xFFFF;
	s2 =	simm.s32 @!p0 $0x1C03  }
0x125: {  	[timem:s3], [sflag:s2] =	dma.local @!p0 [hbm:s0], s1  }
0x126: {  	s0 =	simm.s32 @!p0 $0x3  }
0x127: {  	_ =	swait.ge @!p0 [sflag:s0], s1  }
0x128: {  	s1 =	ssub.s32 @!p0 $0x0, s1;
	[sflag:s0] =	ssyncset.done @!p0 $0x0  }
0x129: {  	[sflag:s0] =	ssyncadd.s32 @!p0 s1  }
0x12a: {  	[bflag:$0x3] =	sbarrier.arrive $0xFFFF  }
0x12b: {  	_ =	shalt  }

</sc_bundles>
